<compile_context>
chip_gen: v7x
topology: tpu7x:2x2x1
jax: 0.10.2.dev20260603
libtpu: 0.0.44.dev20260713+nightly
codegen_flags: <defaults>
</compile_context>

<pallas_src>
import functools

import jax
import jax.numpy as jnp
from jax.experimental import pallas as pl
from jax.experimental.pallas import tpu as pltpu

_K = 16
_NPTS_DS = 1024
_ROWS = 256


def _tree16(vals):
    s = [vals[t] + vals[t + 8] for t in range(8)]
    u = [s[t] + s[t + 4] for t in range(4)]
    w = [u[t] + u[t + 2] for t in range(2)]
    return w[0] + w[1]


def _score_body(xb_ref, xr_ref, xt_ref, score_ref):
    xb = xb_ref[0]
    xr = xr_ref[0]
    xt = xt_ref[0]
    n = xb.shape[1]
    r = xr.shape[1]

    sq_c = (xb[0] * xb[0] + xb[1] * xb[1]) + xb[2] * xb[2]
    sq_r = (xr[0] * xr[0] + xr[1] * xr[1]) + xr[2] * xr[2]

    inner = jax.lax.dot_general(
        xr, xb, (((0,), (0,)), ((), ())),
        preferred_element_type=jnp.float32)

    neg = (2.0 * inner - sq_r[:, None]) - sq_c[None, :]

    a16 = xt.astype(jnp.bfloat16)
    r1 = xt - a16.astype(jnp.float32)
    b16 = r1.astype(jnp.bfloat16)
    r2 = r1 - b16.astype(jnp.float32)
    c16 = r2.astype(jnp.bfloat16)
    abc = jnp.concatenate([a16, b16, c16], axis=1)

    iota = jax.lax.broadcasted_iota(jnp.int32, (r, n), 1)
    vals = []
    for _ in range(_K):
        m = jnp.max(neg, axis=1, keepdims=True)
        cand = jnp.where(neg == m, iota, n)
        j = jnp.min(cand, axis=1, keepdims=True)
        sel = iota == j
        neg = jnp.where(sel, -jnp.inf, neg)
        onehot = jnp.where(sel, 1.0, 0.0).astype(jnp.bfloat16)
        picked = jax.lax.dot_general(
            onehot, abc, (((1,), (0,)), ((), ())),
            preferred_element_type=jnp.float32)
        vals.append((picked[:, 0:3] + picked[:, 3:6]) + picked[:, 6:9])

    mean = _tree16(vals) * jnp.float32(0.0625)
    sqs = [(v - mean) * (v - mean) for v in vals]
    var = _tree16(sqs) * jnp.float32(1.0 / 15.0)
    std = jnp.sqrt(var)
    score = (std[:, 0] + std[:, 2]) + std[:, 1]
    score_ref[0, 0] = score


def _point_scores(x):
    b, _, n = x.shape
    xt = jnp.swapaxes(x, 1, 2)
    nb = n // _ROWS
    grid = (b, nb)
    out = pl.pallas_call(
        _score_body,
        grid=grid,
        in_specs=[
            pl.BlockSpec((1, 3, n), lambda bi, ri: (bi, 0, 0)),
            pl.BlockSpec((1, 3, _ROWS), lambda bi, ri: (bi, 0, ri)),
            pl.BlockSpec((1, n, 3), lambda bi, ri: (bi, 0, 0)),
        ],
        out_specs=pl.BlockSpec(
            (1, 1, _ROWS), lambda bi, ri: (bi * nb + ri, 0, 0)),
        out_shape=jax.ShapeDtypeStruct((b * nb, 1, _ROWS), jnp.float32),
    )(x, x, xt)
    return out.reshape(b, n)


def _gather_channels(t, idx):
    return jax.vmap(lambda tb, ib: tb[:, ib])(t, idx)


def kernel(x, y):
    score = _point_scores(x)
    _, idx = jax.lax.top_k(score, _NPTS_DS)
    top_k_xyz = _gather_channels(x, idx)
    top_k_points = _gather_channels(y, idx)
    return (top_k_xyz, top_k_points)

# --- scband reference (transcript-rebuilt; emitter-appended) ---
"""Pipeline reference for scband-down-48309792145532 (READ-ONLY COPY).

The authoritative reference and input builder live on the scoring server;
editing this copy changes nothing except your own understanding.
"""

import jax, jax.numpy as jnp
import numpy as np

K = 16
NPTS_DS = 1024


def knn_idx(x, k):
    # x: (B, C, N) -> idx: (B, N, k) of k nearest neighbors in feature space
    xt = jnp.swapaxes(x, 1, 2)  # (B, N, C)
    inner = jnp.einsum('bnc,bmc->bnm', xt, xt)  # (B, N, N)
    sq = jnp.sum(xt * xt, axis=-1)  # (B, N)
    neg_dist = 2.0 * inner - sq[:, :, None] - sq[:, None, :]  # -||xi-xj||^2
    _, idx = jax.lax.top_k(neg_dist, k)  # (B, N, k)
    return idx


def gather_channels(t, idx):
    # t: (B, C, N), idx: (B, ...) -> (B, C, ...) gather along point dim
    return jax.vmap(lambda tb, ib: tb[:, ib])(t, idx)


def setup_inputs(seed: int = 0) -> dict:
    key = jax.random.key(seed)
    k1, k2 = jax.random.split(key)
    x = jax.random.normal(k1, (4, 3, 4096), dtype=jnp.float32)
    y = jax.random.normal(k2, (4, 256, 4096), dtype=jnp.float32)
    return {"x": x, "y": y}


def reference(x, y):
    # ops.group(x, K, 'neighbor'): kNN grouping of xyz coords -> (B, C, N, K)
    idx_knn = knn_idx(x, K)
    neighbor = gather_channels(x, idx_knn)  # (B, 3, N, K)
    # ops.down_index(neighbor, npts_ds): score each point by local variation (std over
    # its K neighbors, summed over channels), keep top npts_ds points
    value = jnp.std(neighbor, axis=-1, ddof=1)  # (B, 3, N), unbiased like torch.std
    score = jnp.sum(value, axis=1)  # (B, N)
    _, idx = jax.lax.top_k(score, NPTS_DS)  # (B, npts_ds)
    # torch.gather(x, 2, idx.unsqueeze(1).repeat(1, C, 1))
    top_k_xyz = gather_channels(x, idx)      # (B, 3, npts_ds)
    top_k_points = gather_channels(y, idx)   # (B, 256, npts_ds)
    return (top_k_xyz, top_k_points)

if __name__ == "__main__":
    import jax
    _d = setup_inputs()
    print(jax.jit(kernel)(*tuple(_d.values())))

</pallas_src>

<mosaic_0001>
module attributes {stable_mosaic.version = 14 : i64} {
  func.func @_score_body(%arg0: i32, %arg1: i32, %arg2: memref<1x3x4096xf32, #tpu.memory_space<vmem>>, %arg3: memref<1x3x256xf32, #tpu.memory_space<vmem>>, %arg4: memref<1x4096x3xf32, #tpu.memory_space<vmem>>, %arg5: memref<1x1x256xf32, #tpu.memory_space<vmem>>) attributes {dimension_semantics = [#tpu.dimension_semantics<arbitrary>, #tpu.dimension_semantics<arbitrary>], iteration_bounds = array<i64: 4, 16>, scalar_prefetch = 0 : i64, scratch_operands = 0 : i64, tpu.core_type = #tpu.core_type<tc>, window_params = [{transform_indices = @transform_0, window_bounds = array<i64: 1, 3, 4096>}, {transform_indices = @transform_1, window_bounds = array<i64: 1, 3, 256>}, {transform_indices = @transform_2, window_bounds = array<i64: 1, 4096, 3>}, {transform_indices = @transform_3, window_bounds = array<i64: 1, 1, 256>}]} {
    %get3A = arith.constant 0 : index
    %get3A_0 = arith.constant 0 : index
    %get3A_1 = arith.constant 0 : index
    %get3A_2 = vector.load %arg2[%get3A, %get3A_0, %get3A_1] : memref<1x3x4096xf32, #tpu.memory_space<vmem>>, vector<1x3x4096xf32>
    %get3A_3 = vector.shape_cast %get3A_2 : vector<1x3x4096xf32> to vector<3x4096xf32>
    %get3A_4 = arith.constant 0 : index
    %get3A_5 = arith.constant 0 : index
    %get3A_6 = arith.constant 0 : index
    %get3A_7 = vector.load %arg3[%get3A_4, %get3A_5, %get3A_6] : memref<1x3x256xf32, #tpu.memory_space<vmem>>, vector<1x3x256xf32>
    %get3A_8 = vector.shape_cast %get3A_7 : vector<1x3x256xf32> to vector<3x256xf32>
    %get3A_9 = arith.constant 0 : index
    %get3A_10 = arith.constant 0 : index
    %get3A_11 = arith.constant 0 : index
    %get3A_12 = vector.load %arg4[%get3A_9, %get3A_10, %get3A_11] : memref<1x4096x3xf32, #tpu.memory_space<vmem>>, vector<1x4096x3xf32>
    %get3A_13 = vector.shape_cast %get3A_12 : vector<1x4096x3xf32> to vector<4096x3xf32>
    %slice3A = vector.extract_strided_slice %get3A_3 {offsets = [0, 0], sizes = [1, 4096], strides = [1, 1]} : vector<3x4096xf32> to vector<1x4096xf32>
    %squeeze3A = vector.shape_cast %slice3A : vector<1x4096xf32> to vector<4096xf32>
    %slice3A_14 = vector.extract_strided_slice %get3A_3 {offsets = [0, 0], sizes = [1, 4096], strides = [1, 1]} : vector<3x4096xf32> to vector<1x4096xf32>
    %squeeze3A_15 = vector.shape_cast %slice3A_14 : vector<1x4096xf32> to vector<4096xf32>
    %mul3A = arith.mulf %squeeze3A, %squeeze3A_15 : vector<4096xf32>
    %slice3A_16 = vector.extract_strided_slice %get3A_3 {offsets = [1, 0], sizes = [1, 4096], strides = [1, 1]} : vector<3x4096xf32> to vector<1x4096xf32>
    %squeeze3A_17 = vector.shape_cast %slice3A_16 : vector<1x4096xf32> to vector<4096xf32>
    %slice3A_18 = vector.extract_strided_slice %get3A_3 {offsets = [1, 0], sizes = [1, 4096], strides = [1, 1]} : vector<3x4096xf32> to vector<1x4096xf32>
    %squeeze3A_19 = vector.shape_cast %slice3A_18 : vector<1x4096xf32> to vector<4096xf32>
    %mul3A_20 = arith.mulf %squeeze3A_17, %squeeze3A_19 : vector<4096xf32>
    %add3A = arith.addf %mul3A, %mul3A_20 : vector<4096xf32>
    %slice3A_21 = vector.extract_strided_slice %get3A_3 {offsets = [2, 0], sizes = [1, 4096], strides = [1, 1]} : vector<3x4096xf32> to vector<1x4096xf32>
    %squeeze3A_22 = vector.shape_cast %slice3A_21 : vector<1x4096xf32> to vector<4096xf32>
    %slice3A_23 = vector.extract_strided_slice %get3A_3 {offsets = [2, 0], sizes = [1, 4096], strides = [1, 1]} : vector<3x4096xf32> to vector<1x4096xf32>
    %squeeze3A_24 = vector.shape_cast %slice3A_23 : vector<1x4096xf32> to vector<4096xf32>
    %mul3A_25 = arith.mulf %squeeze3A_22, %squeeze3A_24 : vector<4096xf32>
    %add3A_26 = arith.addf %add3A, %mul3A_25 : vector<4096xf32>
    %slice3A_27 = vector.extract_strided_slice %get3A_8 {offsets = [0, 0], sizes = [1, 256], strides = [1, 1]} : vector<3x256xf32> to vector<1x256xf32>
    %squeeze3A_28 = vector.shape_cast %slice3A_27 : vector<1x256xf32> to vector<256xf32>
    %slice3A_29 = vector.extract_strided_slice %get3A_8 {offsets = [0, 0], sizes = [1, 256], strides = [1, 1]} : vector<3x256xf32> to vector<1x256xf32>
    %squeeze3A_30 = vector.shape_cast %slice3A_29 : vector<1x256xf32> to vector<256xf32>
    %mul3A_31 = arith.mulf %squeeze3A_28, %squeeze3A_30 : vector<256xf32>
    %slice3A_32 = vector.extract_strided_slice %get3A_8 {offsets = [1, 0], sizes = [1, 256], strides = [1, 1]} : vector<3x256xf32> to vector<1x256xf32>
    %squeeze3A_33 = vector.shape_cast %slice3A_32 : vector<1x256xf32> to vector<256xf32>
    %slice3A_34 = vector.extract_strided_slice %get3A_8 {offsets = [1, 0], sizes = [1, 256], strides = [1, 1]} : vector<3x256xf32> to vector<1x256xf32>
    %squeeze3A_35 = vector.shape_cast %slice3A_34 : vector<1x256xf32> to vector<256xf32>
    %mul3A_36 = arith.mulf %squeeze3A_33, %squeeze3A_35 : vector<256xf32>
    %add3A_37 = arith.addf %mul3A_31, %mul3A_36 : vector<256xf32>
    %slice3A_38 = vector.extract_strided_slice %get3A_8 {offsets = [2, 0], sizes = [1, 256], strides = [1, 1]} : vector<3x256xf32> to vector<1x256xf32>
    %squeeze3A_39 = vector.shape_cast %slice3A_38 : vector<1x256xf32> to vector<256xf32>
    %slice3A_40 = vector.extract_strided_slice %get3A_8 {offsets = [2, 0], sizes = [1, 256], strides = [1, 1]} : vector<3x256xf32> to vector<1x256xf32>
    %squeeze3A_41 = vector.shape_cast %slice3A_40 : vector<1x256xf32> to vector<256xf32>
    %mul3A_42 = arith.mulf %squeeze3A_39, %squeeze3A_41 : vector<256xf32>
    %add3A_43 = arith.addf %add3A_37, %mul3A_42 : vector<256xf32>
    %dot_general3A = arith.constant dense<0.000000e+00> : vector<256x4096xf32>
    %dot_general3A_44 = tpu.matmul %get3A_8, %get3A_3, %dot_general3A {dimension_numbers = #tpu.dot_dimension_numbers<[0], [0], [1], [1], [0, 1, 1, 1], [], []>, transpose_lhs_hint = false} : vector<3x256xf32>, vector<3x4096xf32>, vector<256x4096xf32> -> vector<256x4096xf32>
    %mul3A_45 = arith.constant 2.000000e+00 : f32
    %mul3A_46 = vector.broadcast %mul3A_45 : f32 to vector<256x4096xf32>
    %mul3A_47 = arith.mulf %mul3A_46, %dot_general3A_44 : vector<256x4096xf32>
    %broadcast_in_dim3A = vector.shape_cast %add3A_43 : vector<256xf32> to vector<256x1xf32>
    %sub3A = vector.broadcast %broadcast_in_dim3A : vector<256x1xf32> to vector<256x4096xf32>
    %sub3A_48 = arith.subf %mul3A_47, %sub3A : vector<256x4096xf32>
    %broadcast_in_dim3A_49 = vector.shape_cast %add3A_26 : vector<4096xf32> to vector<1x4096xf32>
    %sub3A_50 = vector.broadcast %broadcast_in_dim3A_49 : vector<1x4096xf32> to vector<256x4096xf32>
    %sub3A_51 = arith.subf %sub3A_48, %sub3A_50 : vector<256x4096xf32>
    %convert_element_type3A = arith.truncf %get3A_13 : vector<4096x3xf32> to vector<4096x3xbf16>
    %convert_element_type3A_52 = arith.extf %convert_element_type3A : vector<4096x3xbf16> to vector<4096x3xf32>
    %sub3A_53 = arith.subf %get3A_13, %convert_element_type3A_52 : vector<4096x3xf32>
    %convert_element_type3A_54 = arith.truncf %sub3A_53 : vector<4096x3xf32> to vector<4096x3xbf16>
    %convert_element_type3A_55 = arith.extf %convert_element_type3A_54 : vector<4096x3xbf16> to vector<4096x3xf32>
    %sub3A_56 = arith.subf %sub3A_53, %convert_element_type3A_55 : vector<4096x3xf32>
    %convert_element_type3A_57 = arith.truncf %sub3A_56 : vector<4096x3xf32> to vector<4096x3xbf16>
    %concatenate3A = tpu.concatenate %convert_element_type3A, %convert_element_type3A_54, %convert_element_type3A_57 in 1 : vector<4096x3xbf16>, vector<4096x3xbf16>, vector<4096x3xbf16> -> vector<4096x9xbf16>
    %iota3A = tpu.iota {dimensions = array<i32: 1>} : vector<256x4096xi32>
    %reduce_max3A = arith.constant dense<0xFF800000> : vector<256xf32>
    %reduce_max3A_58 = vector.multi_reduction <maximumf>, %sub3A_51, %reduce_max3A [1] : vector<256x4096xf32> to vector<256xf32>
    %broadcast_in_dim3A_59 = vector.shape_cast %reduce_max3A_58 : vector<256xf32> to vector<256x1xf32>
    %eq3A = vector.broadcast %broadcast_in_dim3A_59 : vector<256x1xf32> to vector<256x4096xf32>
    %eq3A_60 = arith.cmpf oeq, %sub3A_51, %eq3A : vector<256x4096xf32>
    %jit3A = arith.constant 4096 : i32
    %broadcast_in_dim3A_61 = vector.broadcast %jit3A : i32 to vector<256x4096xi32>
    %select_n3A = arith.select %eq3A_60, %iota3A, %broadcast_in_dim3A_61 : vector<256x4096xi1>, vector<256x4096xi32>
    %reduce_min3A = arith.constant dense<2147483647> : vector<256xi32>
    %reduce_min3A_62 = vector.multi_reduction <minsi>, %select_n3A, %reduce_min3A [1] : vector<256x4096xi32> to vector<256xi32>
    %broadcast_in_dim3A_63 = vector.shape_cast %reduce_min3A_62 : vector<256xi32> to vector<256x1xi32>
    %eq3A_64 = vector.broadcast %broadcast_in_dim3A_63 : vector<256x1xi32> to vector<256x4096xi32>
    %eq3A_65 = arith.cmpi eq, %iota3A, %eq3A_64 : vector<256x4096xi32>
    %jit3A_66 = arith.constant 0xFF800000 : f32
    %broadcast_in_dim3A_67 = vector.broadcast %jit3A_66 : f32 to vector<256x4096xf32>
    %select_n3A_68 = arith.select %eq3A_65, %broadcast_in_dim3A_67, %sub3A_51 : vector<256x4096xi1>, vector<256x4096xf32>
    %jit3A_69 = arith.constant 1.000000e+00 : f32
    %jit3A_70 = arith.constant 0.000000e+00 : f32
    %broadcast_in_dim3A_71 = vector.broadcast %jit3A_69 : f32 to vector<256x4096xf32>
    %broadcast_in_dim3A_72 = vector.broadcast %jit3A_70 : f32 to vector<256x4096xf32>
    %select_n3A_73 = arith.select %eq3A_65, %broadcast_in_dim3A_71, %broadcast_in_dim3A_72 : vector<256x4096xi1>, vector<256x4096xf32>
    %convert_element_type3A_74 = arith.truncf %select_n3A_73 : vector<256x4096xf32> to vector<256x4096xbf16>
    %dot_general3A_75 = arith.constant dense<0.000000e+00> : vector<256x9xf32>
    %dot_general3A_76 = tpu.matmul %convert_element_type3A_74, %concatenate3A, %dot_general3A_75 {dimension_numbers = #tpu.dot_dimension_numbers<[1], [0], [0], [1], [0, 0, 1, 1], [], []>, transpose_lhs_hint = false} : vector<256x4096xbf16>, vector<4096x9xbf16>, vector<256x9xf32> -> vector<256x9xf32>
    %slice3A_77 = vector.extract_strided_slice %dot_general3A_76 {offsets = [0, 0], sizes = [256, 3], strides = [1, 1]} : vector<256x9xf32> to vector<256x3xf32>
    %slice3A_78 = vector.extract_strided_slice %dot_general3A_76 {offsets = [0, 3], sizes = [256, 3], strides = [1, 1]} : vector<256x9xf32> to vector<256x3xf32>
    %add3A_79 = arith.addf %slice3A_77, %slice3A_78 : vector<256x3xf32>
    %slice3A_80 = vector.extract_strided_slice %dot_general3A_76 {offsets = [0, 6], sizes = [256, 3], strides = [1, 1]} : vector<256x9xf32> to vector<256x3xf32>
    %add3A_81 = arith.addf %add3A_79, %slice3A_80 : vector<256x3xf32>
    %reduce_max3A_82 = arith.constant dense<0xFF800000> : vector<256xf32>
    %reduce_max3A_83 = vector.multi_reduction <maximumf>, %select_n3A_68, %reduce_max3A_82 [1] : vector<256x4096xf32> to vector<256xf32>
    %broadcast_in_dim3A_84 = vector.shape_cast %reduce_max3A_83 : vector<256xf32> to vector<256x1xf32>
    %eq3A_85 = vector.broadcast %broadcast_in_dim3A_84 : vector<256x1xf32> to vector<256x4096xf32>
    %eq3A_86 = arith.cmpf oeq, %select_n3A_68, %eq3A_85 : vector<256x4096xf32>
    %jit3A_87 = arith.constant 4096 : i32
    %broadcast_in_dim3A_88 = vector.broadcast %jit3A_87 : i32 to vector<256x4096xi32>
    %select_n3A_89 = arith.select %eq3A_86, %iota3A, %broadcast_in_dim3A_88 : vector<256x4096xi1>, vector<256x4096xi32>
    %reduce_min3A_90 = arith.constant dense<2147483647> : vector<256xi32>
    %reduce_min3A_91 = vector.multi_reduction <minsi>, %select_n3A_89, %reduce_min3A_90 [1] : vector<256x4096xi32> to vector<256xi32>
    %broadcast_in_dim3A_92 = vector.shape_cast %reduce_min3A_91 : vector<256xi32> to vector<256x1xi32>
    %eq3A_93 = vector.broadcast %broadcast_in_dim3A_92 : vector<256x1xi32> to vector<256x4096xi32>
    %eq3A_94 = arith.cmpi eq, %iota3A, %eq3A_93 : vector<256x4096xi32>
    %jit3A_95 = arith.constant 0xFF800000 : f32
    %broadcast_in_dim3A_96 = vector.broadcast %jit3A_95 : f32 to vector<256x4096xf32>
    %select_n3A_97 = arith.select %eq3A_94, %broadcast_in_dim3A_96, %select_n3A_68 : vector<256x4096xi1>, vector<256x4096xf32>
    %jit3A_98 = arith.constant 1.000000e+00 : f32
    %jit3A_99 = arith.constant 0.000000e+00 : f32
    %broadcast_in_dim3A_100 = vector.broadcast %jit3A_98 : f32 to vector<256x4096xf32>
    %broadcast_in_dim3A_101 = vector.broadcast %jit3A_99 : f32 to vector<256x4096xf32>
    %select_n3A_102 = arith.select %eq3A_94, %broadcast_in_dim3A_100, %broadcast_in_dim3A_101 : vector<256x4096xi1>, vector<256x4096xf32>
    %convert_element_type3A_103 = arith.truncf %select_n3A_102 : vector<256x4096xf32> to vector<256x4096xbf16>
    %dot_general3A_104 = arith.constant dense<0.000000e+00> : vector<256x9xf32>
    %dot_general3A_105 = tpu.matmul %convert_element_type3A_103, %concatenate3A, %dot_general3A_104 {dimension_numbers = #tpu.dot_dimension_numbers<[1], [0], [0], [1], [0, 0, 1, 1], [], []>, transpose_lhs_hint = false} : vector<256x4096xbf16>, vector<4096x9xbf16>, vector<256x9xf32> -> vector<256x9xf32>
    %slice3A_106 = vector.extract_strided_slice %dot_general3A_105 {offsets = [0, 0], sizes = [256, 3], strides = [1, 1]} : vector<256x9xf32> to vector<256x3xf32>
    %slice3A_107 = vector.extract_strided_slice %dot_general3A_105 {offsets = [0, 3], sizes = [256, 3], strides = [1, 1]} : vector<256x9xf32> to vector<256x3xf32>
    %add3A_108 = arith.addf %slice3A_106, %slice3A_107 : vector<256x3xf32>
    %slice3A_109 = vector.extract_strided_slice %dot_general3A_105 {offsets = [0, 6], sizes = [256, 3], strides = [1, 1]} : vector<256x9xf32> to vector<256x3xf32>
    %add3A_110 = arith.addf %add3A_108, %slice3A_109 : vector<256x3xf32>
    %reduce_max3A_111 = arith.constant dense<0xFF800000> : vector<256xf32>
    %reduce_max3A_112 = vector.multi_reduction <maximumf>, %select_n3A_97, %reduce_max3A_111 [1] : vector<256x4096xf32> to vector<256xf32>
    %broadcast_in_dim3A_113 = vector.shape_cast %reduce_max3A_112 : vector<256xf32> to vector<256x1xf32>
    %eq3A_114 = vector.broadcast %broadcast_in_dim3A_113 : vector<256x1xf32> to vector<256x4096xf32>
    %eq3A_115 = arith.cmpf oeq, %select_n3A_97, %eq3A_114 : vector<256x4096xf32>
    %jit3A_116 = arith.constant 4096 : i32
    %broadcast_in_dim3A_117 = vector.broadcast %jit3A_116 : i32 to vector<256x4096xi32>
    %select_n3A_118 = arith.select %eq3A_115, %iota3A, %broadcast_in_dim3A_117 : vector<256x4096xi1>, vector<256x4096xi32>
    %reduce_min3A_119 = arith.constant dense<2147483647> : vector<256xi32>
    %reduce_min3A_120 = vector.multi_reduction <minsi>, %select_n3A_118, %reduce_min3A_119 [1] : vector<256x4096xi32> to vector<256xi32>
    %broadcast_in_dim3A_121 = vector.shape_cast %reduce_min3A_120 : vector<256xi32> to vector<256x1xi32>
    %eq3A_122 = vector.broadcast %broadcast_in_dim3A_121 : vector<256x1xi32> to vector<256x4096xi32>
    %eq3A_123 = arith.cmpi eq, %iota3A, %eq3A_122 : vector<256x4096xi32>
    %jit3A_124 = arith.constant 0xFF800000 : f32
    %broadcast_in_dim3A_125 = vector.broadcast %jit3A_124 : f32 to vector<256x4096xf32>
    %select_n3A_126 = arith.select %eq3A_123, %broadcast_in_dim3A_125, %select_n3A_97 : vector<256x4096xi1>, vector<256x4096xf32>
    %jit3A_127 = arith.constant 1.000000e+00 : f32
    %jit3A_128 = arith.constant 0.000000e+00 : f32
    %broadcast_in_dim3A_129 = vector.broadcast %jit3A_127 : f32 to vector<256x4096xf32>
    %broadcast_in_dim3A_130 = vector.broadcast %jit3A_128 : f32 to vector<256x4096xf32>
    %select_n3A_131 = arith.select %eq3A_123, %broadcast_in_dim3A_129, %broadcast_in_dim3A_130 : vector<256x4096xi1>, vector<256x4096xf32>
    %convert_element_type3A_132 = arith.truncf %select_n3A_131 : vector<256x4096xf32> to vector<256x4096xbf16>
    %dot_general3A_133 = arith.constant dense<0.000000e+00> : vector<256x9xf32>
    %dot_general3A_134 = tpu.matmul %convert_element_type3A_132, %concatenate3A, %dot_general3A_133 {dimension_numbers = #tpu.dot_dimension_numbers<[1], [0], [0], [1], [0, 0, 1, 1], [], []>, transpose_lhs_hint = false} : vector<256x4096xbf16>, vector<4096x9xbf16>, vector<256x9xf32> -> vector<256x9xf32>
    %slice3A_135 = vector.extract_strided_slice %dot_general3A_134 {offsets = [0, 0], sizes = [256, 3], strides = [1, 1]} : vector<256x9xf32> to vector<256x3xf32>
    %slice3A_136 = vector.extract_strided_slice %dot_general3A_134 {offsets = [0, 3], sizes = [256, 3], strides = [1, 1]} : vector<256x9xf32> to vector<256x3xf32>
    %add3A_137 = arith.addf %slice3A_135, %slice3A_136 : vector<256x3xf32>
    %slice3A_138 = vector.extract_strided_slice %dot_general3A_134 {offsets = [0, 6], sizes = [256, 3], strides = [1, 1]} : vector<256x9xf32> to vector<256x3xf32>
    %add3A_139 = arith.addf %add3A_137, %slice3A_138 : vector<256x3xf32>
    %reduce_max3A_140 = arith.constant dense<0xFF800000> : vector<256xf32>
    %reduce_max3A_141 = vector.multi_reduction <maximumf>, %select_n3A_126, %reduce_max3A_140 [1] : vector<256x4096xf32> to vector<256xf32>
    %broadcast_in_dim3A_142 = vector.shape_cast %reduce_max3A_141 : vector<256xf32> to vector<256x1xf32>
    %eq3A_143 = vector.broadcast %broadcast_in_dim3A_142 : vector<256x1xf32> to vector<256x4096xf32>
    %eq3A_144 = arith.cmpf oeq, %select_n3A_126, %eq3A_143 : vector<256x4096xf32>
    %jit3A_145 = arith.constant 4096 : i32
    %broadcast_in_dim3A_146 = vector.broadcast %jit3A_145 : i32 to vector<256x4096xi32>
    %select_n3A_147 = arith.select %eq3A_144, %iota3A, %broadcast_in_dim3A_146 : vector<256x4096xi1>, vector<256x4096xi32>
    %reduce_min3A_148 = arith.constant dense<2147483647> : vector<256xi32>
    %reduce_min3A_149 = vector.multi_reduction <minsi>, %select_n3A_147, %reduce_min3A_148 [1] : vector<256x4096xi32> to vector<256xi32>
    %broadcast_in_dim3A_150 = vector.shape_cast %reduce_min3A_149 : vector<256xi32> to vector<256x1xi32>
    %eq3A_151 = vector.broadcast %broadcast_in_dim3A_150 : vector<256x1xi32> to vector<256x4096xi32>
    %eq3A_152 = arith.cmpi eq, %iota3A, %eq3A_151 : vector<256x4096xi32>
    %jit3A_153 = arith.constant 0xFF800000 : f32
    %broadcast_in_dim3A_154 = vector.broadcast %jit3A_153 : f32 to vector<256x4096xf32>
    %select_n3A_155 = arith.select %eq3A_152, %broadcast_in_dim3A_154, %select_n3A_126 : vector<256x4096xi1>, vector<256x4096xf32>
    %jit3A_156 = arith.constant 1.000000e+00 : f32
    %jit3A_157 = arith.constant 0.000000e+00 : f32
    %broadcast_in_dim3A_158 = vector.broadcast %jit3A_156 : f32 to vector<256x4096xf32>
    %broadcast_in_dim3A_159 = vector.broadcast %jit3A_157 : f32 to vector<256x4096xf32>
    %select_n3A_160 = arith.select %eq3A_152, %broadcast_in_dim3A_158, %broadcast_in_dim3A_159 : vector<256x4096xi1>, vector<256x4096xf32>
    %convert_element_type3A_161 = arith.truncf %select_n3A_160 : vector<256x4096xf32> to vector<256x4096xbf16>
    %dot_general3A_162 = arith.constant dense<0.000000e+00> : vector<256x9xf32>
    %dot_general3A_163 = tpu.matmul %convert_element_type3A_161, %concatenate3A, %dot_general3A_162 {dimension_numbers = #tpu.dot_dimension_numbers<[1], [0], [0], [1], [0, 0, 1, 1], [], []>, transpose_lhs_hint = false} : vector<256x4096xbf16>, vector<4096x9xbf16>, vector<256x9xf32> -> vector<256x9xf32>
    %slice3A_164 = vector.extract_strided_slice %dot_general3A_163 {offsets = [0, 0], sizes = [256, 3], strides = [1, 1]} : vector<256x9xf32> to vector<256x3xf32>
    %slice3A_165 = vector.extract_strided_slice %dot_general3A_163 {offsets = [0, 3], sizes = [256, 3], strides = [1, 1]} : vector<256x9xf32> to vector<256x3xf32>
    %add3A_166 = arith.addf %slice3A_164, %slice3A_165 : vector<256x3xf32>
    %slice3A_167 = vector.extract_strided_slice %dot_general3A_163 {offsets = [0, 6], sizes = [256, 3], strides = [1, 1]} : vector<256x9xf32> to vector<256x3xf32>
    %add3A_168 = arith.addf %add3A_166, %slice3A_167 : vector<256x3xf32>
    %reduce_max3A_169 = arith.constant dense<0xFF800000> : vector<256xf32>
    %reduce_max3A_170 = vector.multi_reduction <maximumf>, %select_n3A_155, %reduce_max3A_169 [1] : vector<256x4096xf32> to vector<256xf32>
    %broadcast_in_dim3A_171 = vector.shape_cast %reduce_max3A_170 : vector<256xf32> to vector<256x1xf32>
    %eq3A_172 = vector.broadcast %broadcast_in_dim3A_171 : vector<256x1xf32> to vector<256x4096xf32>
    %eq3A_173 = arith.cmpf oeq, %select_n3A_155, %eq3A_172 : vector<256x4096xf32>
    %jit3A_174 = arith.constant 4096 : i32
    %broadcast_in_dim3A_175 = vector.broadcast %jit3A_174 : i32 to vector<256x4096xi32>
    %select_n3A_176 = arith.select %eq3A_173, %iota3A, %broadcast_in_dim3A_175 : vector<256x4096xi1>, vector<256x4096xi32>
    %reduce_min3A_177 = arith.constant dense<2147483647> : vector<256xi32>
    %reduce_min3A_178 = vector.multi_reduction <minsi>, %select_n3A_176, %reduce_min3A_177 [1] : vector<256x4096xi32> to vector<256xi32>
    %broadcast_in_dim3A_179 = vector.shape_cast %reduce_min3A_178 : vector<256xi32> to vector<256x1xi32>
    %eq3A_180 = vector.broadcast %broadcast_in_dim3A_179 : vector<256x1xi32> to vector<256x4096xi32>
    %eq3A_181 = arith.cmpi eq, %iota3A, %eq3A_180 : vector<256x4096xi32>
    %jit3A_182 = arith.constant 0xFF800000 : f32
    %broadcast_in_dim3A_183 = vector.broadcast %jit3A_182 : f32 to vector<256x4096xf32>
    %select_n3A_184 = arith.select %eq3A_181, %broadcast_in_dim3A_183, %select_n3A_155 : vector<256x4096xi1>, vector<256x4096xf32>
    %jit3A_185 = arith.constant 1.000000e+00 : f32
    %jit3A_186 = arith.constant 0.000000e+00 : f32
    %broadcast_in_dim3A_187 = vector.broadcast %jit3A_185 : f32 to vector<256x4096xf32>
    %broadcast_in_dim3A_188 = vector.broadcast %jit3A_186 : f32 to vector<256x4096xf32>
    %select_n3A_189 = arith.select %eq3A_181, %broadcast_in_dim3A_187, %broadcast_in_dim3A_188 : vector<256x4096xi1>, vector<256x4096xf32>
    %convert_element_type3A_190 = arith.truncf %select_n3A_189 : vector<256x4096xf32> to vector<256x4096xbf16>
    %dot_general3A_191 = arith.constant dense<0.000000e+00> : vector<256x9xf32>
    %dot_general3A_192 = tpu.matmul %convert_element_type3A_190, %concatenate3A, %dot_general3A_191 {dimension_numbers = #tpu.dot_dimension_numbers<[1], [0], [0], [1], [0, 0, 1, 1], [], []>, transpose_lhs_hint = false} : vector<256x4096xbf16>, vector<4096x9xbf16>, vector<256x9xf32> -> vector<256x9xf32>
    %slice3A_193 = vector.extract_strided_slice %dot_general3A_192 {offsets = [0, 0], sizes = [256, 3], strides = [1, 1]} : vector<256x9xf32> to vector<256x3xf32>
    %slice3A_194 = vector.extract_strided_slice %dot_general3A_192 {offsets = [0, 3], sizes = [256, 3], strides = [1, 1]} : vector<256x9xf32> to vector<256x3xf32>
    %add3A_195 = arith.addf %slice3A_193, %slice3A_194 : vector<256x3xf32>
    %slice3A_196 = vector.extract_strided_slice %dot_general3A_192 {offsets = [0, 6], sizes = [256, 3], strides = [1, 1]} : vector<256x9xf32> to vector<256x3xf32>
    %add3A_197 = arith.addf %add3A_195, %slice3A_196 : vector<256x3xf32>
    %reduce_max3A_198 = arith.constant dense<0xFF800000> : vector<256xf32>
    %reduce_max3A_199 = vector.multi_reduction <maximumf>, %select_n3A_184, %reduce_max3A_198 [1] : vector<256x4096xf32> to vector<256xf32>
    %broadcast_in_dim3A_200 = vector.shape_cast %reduce_max3A_199 : vector<256xf32> to vector<256x1xf32>
    %eq3A_201 = vector.broadcast %broadcast_in_dim3A_200 : vector<256x1xf32> to vector<256x4096xf32>
    %eq3A_202 = arith.cmpf oeq, %select_n3A_184, %eq3A_201 : vector<256x4096xf32>
    %jit3A_203 = arith.constant 4096 : i32
    %broadcast_in_dim3A_204 = vector.broadcast %jit3A_203 : i32 to vector<256x4096xi32>
    %select_n3A_205 = arith.select %eq3A_202, %iota3A, %broadcast_in_dim3A_204 : vector<256x4096xi1>, vector<256x4096xi32>
    %reduce_min3A_206 = arith.constant dense<2147483647> : vector<256xi32>
    %reduce_min3A_207 = vector.multi_reduction <minsi>, %select_n3A_205, %reduce_min3A_206 [1] : vector<256x4096xi32> to vector<256xi32>
    %broadcast_in_dim3A_208 = vector.shape_cast %reduce_min3A_207 : vector<256xi32> to vector<256x1xi32>
    %eq3A_209 = vector.broadcast %broadcast_in_dim3A_208 : vector<256x1xi32> to vector<256x4096xi32>
    %eq3A_210 = arith.cmpi eq, %iota3A, %eq3A_209 : vector<256x4096xi32>
    %jit3A_211 = arith.constant 0xFF800000 : f32
    %broadcast_in_dim3A_212 = vector.broadcast %jit3A_211 : f32 to vector<256x4096xf32>
    %select_n3A_213 = arith.select %eq3A_210, %broadcast_in_dim3A_212, %select_n3A_184 : vector<256x4096xi1>, vector<256x4096xf32>
    %jit3A_214 = arith.constant 1.000000e+00 : f32
    %jit3A_215 = arith.constant 0.000000e+00 : f32
    %broadcast_in_dim3A_216 = vector.broadcast %jit3A_214 : f32 to vector<256x4096xf32>
    %broadcast_in_dim3A_217 = vector.broadcast %jit3A_215 : f32 to vector<256x4096xf32>
    %select_n3A_218 = arith.select %eq3A_210, %broadcast_in_dim3A_216, %broadcast_in_dim3A_217 : vector<256x4096xi1>, vector<256x4096xf32>
    %convert_element_type3A_219 = arith.truncf %select_n3A_218 : vector<256x4096xf32> to vector<256x4096xbf16>
    %dot_general3A_220 = arith.constant dense<0.000000e+00> : vector<256x9xf32>
    %dot_general3A_221 = tpu.matmul %convert_element_type3A_219, %concatenate3A, %dot_general3A_220 {dimension_numbers = #tpu.dot_dimension_numbers<[1], [0], [0], [1], [0, 0, 1, 1], [], []>, transpose_lhs_hint = false} : vector<256x4096xbf16>, vector<4096x9xbf16>, vector<256x9xf32> -> vector<256x9xf32>
    %slice3A_222 = vector.extract_strided_slice %dot_general3A_221 {offsets = [0, 0], sizes = [256, 3], strides = [1, 1]} : vector<256x9xf32> to vector<256x3xf32>
    %slice3A_223 = vector.extract_strided_slice %dot_general3A_221 {offsets = [0, 3], sizes = [256, 3], strides = [1, 1]} : vector<256x9xf32> to vector<256x3xf32>
    %add3A_224 = arith.addf %slice3A_222, %slice3A_223 : vector<256x3xf32>
    %slice3A_225 = vector.extract_strided_slice %dot_general3A_221 {offsets = [0, 6], sizes = [256, 3], strides = [1, 1]} : vector<256x9xf32> to vector<256x3xf32>
    %add3A_226 = arith.addf %add3A_224, %slice3A_225 : vector<256x3xf32>
    %reduce_max3A_227 = arith.constant dense<0xFF800000> : vector<256xf32>
    %reduce_max3A_228 = vector.multi_reduction <maximumf>, %select_n3A_213, %reduce_max3A_227 [1] : vector<256x4096xf32> to vector<256xf32>
    %broadcast_in_dim3A_229 = vector.shape_cast %reduce_max3A_228 : vector<256xf32> to vector<256x1xf32>
    %eq3A_230 = vector.broadcast %broadcast_in_dim3A_229 : vector<256x1xf32> to vector<256x4096xf32>
    %eq3A_231 = arith.cmpf oeq, %select_n3A_213, %eq3A_230 : vector<256x4096xf32>
    %jit3A_232 = arith.constant 4096 : i32
    %broadcast_in_dim3A_233 = vector.broadcast %jit3A_232 : i32 to vector<256x4096xi32>
    %select_n3A_234 = arith.select %eq3A_231, %iota3A, %broadcast_in_dim3A_233 : vector<256x4096xi1>, vector<256x4096xi32>
    %reduce_min3A_235 = arith.constant dense<2147483647> : vector<256xi32>
    %reduce_min3A_236 = vector.multi_reduction <minsi>, %select_n3A_234, %reduce_min3A_235 [1] : vector<256x4096xi32> to vector<256xi32>
    %broadcast_in_dim3A_237 = vector.shape_cast %reduce_min3A_236 : vector<256xi32> to vector<256x1xi32>
    %eq3A_238 = vector.broadcast %broadcast_in_dim3A_237 : vector<256x1xi32> to vector<256x4096xi32>
    %eq3A_239 = arith.cmpi eq, %iota3A, %eq3A_238 : vector<256x4096xi32>
    %jit3A_240 = arith.constant 0xFF800000 : f32
    %broadcast_in_dim3A_241 = vector.broadcast %jit3A_240 : f32 to vector<256x4096xf32>
    %select_n3A_242 = arith.select %eq3A_239, %broadcast_in_dim3A_241, %select_n3A_213 : vector<256x4096xi1>, vector<256x4096xf32>
    %jit3A_243 = arith.constant 1.000000e+00 : f32
    %jit3A_244 = arith.constant 0.000000e+00 : f32
    %broadcast_in_dim3A_245 = vector.broadcast %jit3A_243 : f32 to vector<256x4096xf32>
    %broadcast_in_dim3A_246 = vector.broadcast %jit3A_244 : f32 to vector<256x4096xf32>
    %select_n3A_247 = arith.select %eq3A_239, %broadcast_in_dim3A_245, %broadcast_in_dim3A_246 : vector<256x4096xi1>, vector<256x4096xf32>
    %convert_element_type3A_248 = arith.truncf %select_n3A_247 : vector<256x4096xf32> to vector<256x4096xbf16>
    %dot_general3A_249 = arith.constant dense<0.000000e+00> : vector<256x9xf32>
    %dot_general3A_250 = tpu.matmul %convert_element_type3A_248, %concatenate3A, %dot_general3A_249 {dimension_numbers = #tpu.dot_dimension_numbers<[1], [0], [0], [1], [0, 0, 1, 1], [], []>, transpose_lhs_hint = false} : vector<256x4096xbf16>, vector<4096x9xbf16>, vector<256x9xf32> -> vector<256x9xf32>
    %slice3A_251 = vector.extract_strided_slice %dot_general3A_250 {offsets = [0, 0], sizes = [256, 3], strides = [1, 1]} : vector<256x9xf32> to vector<256x3xf32>
    %slice3A_252 = vector.extract_strided_slice %dot_general3A_250 {offsets = [0, 3], sizes = [256, 3], strides = [1, 1]} : vector<256x9xf32> to vector<256x3xf32>
    %add3A_253 = arith.addf %slice3A_251, %slice3A_252 : vector<256x3xf32>
    %slice3A_254 = vector.extract_strided_slice %dot_general3A_250 {offsets = [0, 6], sizes = [256, 3], strides = [1, 1]} : vector<256x9xf32> to vector<256x3xf32>
    %add3A_255 = arith.addf %add3A_253, %slice3A_254 : vector<256x3xf32>
    %reduce_max3A_256 = arith.constant dense<0xFF800000> : vector<256xf32>
    %reduce_max3A_257 = vector.multi_reduction <maximumf>, %select_n3A_242, %reduce_max3A_256 [1] : vector<256x4096xf32> to vector<256xf32>
    %broadcast_in_dim3A_258 = vector.shape_cast %reduce_max3A_257 : vector<256xf32> to vector<256x1xf32>
    %eq3A_259 = vector.broadcast %broadcast_in_dim3A_258 : vector<256x1xf32> to vector<256x4096xf32>
    %eq3A_260 = arith.cmpf oeq, %select_n3A_242, %eq3A_259 : vector<256x4096xf32>
    %jit3A_261 = arith.constant 4096 : i32
    %broadcast_in_dim3A_262 = vector.broadcast %jit3A_261 : i32 to vector<256x4096xi32>
    %select_n3A_263 = arith.select %eq3A_260, %iota3A, %broadcast_in_dim3A_262 : vector<256x4096xi1>, vector<256x4096xi32>
    %reduce_min3A_264 = arith.constant dense<2147483647> : vector<256xi32>
    %reduce_min3A_265 = vector.multi_reduction <minsi>, %select_n3A_263, %reduce_min3A_264 [1] : vector<256x4096xi32> to vector<256xi32>
    %broadcast_in_dim3A_266 = vector.shape_cast %reduce_min3A_265 : vector<256xi32> to vector<256x1xi32>
    %eq3A_267 = vector.broadcast %broadcast_in_dim3A_266 : vector<256x1xi32> to vector<256x4096xi32>
    %eq3A_268 = arith.cmpi eq, %iota3A, %eq3A_267 : vector<256x4096xi32>
    %jit3A_269 = arith.constant 0xFF800000 : f32
    %broadcast_in_dim3A_270 = vector.broadcast %jit3A_269 : f32 to vector<256x4096xf32>
    %select_n3A_271 = arith.select %eq3A_268, %broadcast_in_dim3A_270, %select_n3A_242 : vector<256x4096xi1>, vector<256x4096xf32>
    %jit3A_272 = arith.constant 1.000000e+00 : f32
    %jit3A_273 = arith.constant 0.000000e+00 : f32
    %broadcast_in_dim3A_274 = vector.broadcast %jit3A_272 : f32 to vector<256x4096xf32>
    %broadcast_in_dim3A_275 = vector.broadcast %jit3A_273 : f32 to vector<256x4096xf32>
    %select_n3A_276 = arith.select %eq3A_268, %broadcast_in_dim3A_274, %broadcast_in_dim3A_275 : vector<256x4096xi1>, vector<256x4096xf32>
    %convert_element_type3A_277 = arith.truncf %select_n3A_276 : vector<256x4096xf32> to vector<256x4096xbf16>
    %dot_general3A_278 = arith.constant dense<0.000000e+00> : vector<256x9xf32>
    %dot_general3A_279 = tpu.matmul %convert_element_type3A_277, %concatenate3A, %dot_general3A_278 {dimension_numbers = #tpu.dot_dimension_numbers<[1], [0], [0], [1], [0, 0, 1, 1], [], []>, transpose_lhs_hint = false} : vector<256x4096xbf16>, vector<4096x9xbf16>, vector<256x9xf32> -> vector<256x9xf32>
    %slice3A_280 = vector.extract_strided_slice %dot_general3A_279 {offsets = [0, 0], sizes = [256, 3], strides = [1, 1]} : vector<256x9xf32> to vector<256x3xf32>
    %slice3A_281 = vector.extract_strided_slice %dot_general3A_279 {offsets = [0, 3], sizes = [256, 3], strides = [1, 1]} : vector<256x9xf32> to vector<256x3xf32>
    %add3A_282 = arith.addf %slice3A_280, %slice3A_281 : vector<256x3xf32>
    %slice3A_283 = vector.extract_strided_slice %dot_general3A_279 {offsets = [0, 6], sizes = [256, 3], strides = [1, 1]} : vector<256x9xf32> to vector<256x3xf32>
    %add3A_284 = arith.addf %add3A_282, %slice3A_283 : vector<256x3xf32>
    %reduce_max3A_285 = arith.constant dense<0xFF800000> : vector<256xf32>
    %reduce_max3A_286 = vector.multi_reduction <maximumf>, %select_n3A_271, %reduce_max3A_285 [1] : vector<256x4096xf32> to vector<256xf32>
    %broadcast_in_dim3A_287 = vector.shape_cast %reduce_max3A_286 : vector<256xf32> to vector<256x1xf32>
    %eq3A_288 = vector.broadcast %broadcast_in_dim3A_287 : vector<256x1xf32> to vector<256x4096xf32>
    %eq3A_289 = arith.cmpf oeq, %select_n3A_271, %eq3A_288 : vector<256x4096xf32>
    %jit3A_290 = arith.constant 4096 : i32
    %broadcast_in_dim3A_291 = vector.broadcast %jit3A_290 : i32 to vector<256x4096xi32>
    %select_n3A_292 = arith.select %eq3A_289, %iota3A, %broadcast_in_dim3A_291 : vector<256x4096xi1>, vector<256x4096xi32>
    %reduce_min3A_293 = arith.constant dense<2147483647> : vector<256xi32>
    %reduce_min3A_294 = vector.multi_reduction <minsi>, %select_n3A_292, %reduce_min3A_293 [1] : vector<256x4096xi32> to vector<256xi32>
    %broadcast_in_dim3A_295 = vector.shape_cast %reduce_min3A_294 : vector<256xi32> to vector<256x1xi32>
    %eq3A_296 = vector.broadcast %broadcast_in_dim3A_295 : vector<256x1xi32> to vector<256x4096xi32>
    %eq3A_297 = arith.cmpi eq, %iota3A, %eq3A_296 : vector<256x4096xi32>
    %jit3A_298 = arith.constant 0xFF800000 : f32
    %broadcast_in_dim3A_299 = vector.broadcast %jit3A_298 : f32 to vector<256x4096xf32>
    %select_n3A_300 = arith.select %eq3A_297, %broadcast_in_dim3A_299, %select_n3A_271 : vector<256x4096xi1>, vector<256x4096xf32>
    %jit3A_301 = arith.constant 1.000000e+00 : f32
    %jit3A_302 = arith.constant 0.000000e+00 : f32
    %broadcast_in_dim3A_303 = vector.broadcast %jit3A_301 : f32 to vector<256x4096xf32>
    %broadcast_in_dim3A_304 = vector.broadcast %jit3A_302 : f32 to vector<256x4096xf32>
    %select_n3A_305 = arith.select %eq3A_297, %broadcast_in_dim3A_303, %broadcast_in_dim3A_304 : vector<256x4096xi1>, vector<256x4096xf32>
    %convert_element_type3A_306 = arith.truncf %select_n3A_305 : vector<256x4096xf32> to vector<256x4096xbf16>
    %dot_general3A_307 = arith.constant dense<0.000000e+00> : vector<256x9xf32>
    %dot_general3A_308 = tpu.matmul %convert_element_type3A_306, %concatenate3A, %dot_general3A_307 {dimension_numbers = #tpu.dot_dimension_numbers<[1], [0], [0], [1], [0, 0, 1, 1], [], []>, transpose_lhs_hint = false} : vector<256x4096xbf16>, vector<4096x9xbf16>, vector<256x9xf32> -> vector<256x9xf32>
    %slice3A_309 = vector.extract_strided_slice %dot_general3A_308 {offsets = [0, 0], sizes = [256, 3], strides = [1, 1]} : vector<256x9xf32> to vector<256x3xf32>
    %slice3A_310 = vector.extract_strided_slice %dot_general3A_308 {offsets = [0, 3], sizes = [256, 3], strides = [1, 1]} : vector<256x9xf32> to vector<256x3xf32>
    %add3A_311 = arith.addf %slice3A_309, %slice3A_310 : vector<256x3xf32>
    %slice3A_312 = vector.extract_strided_slice %dot_general3A_308 {offsets = [0, 6], sizes = [256, 3], strides = [1, 1]} : vector<256x9xf32> to vector<256x3xf32>
    %add3A_313 = arith.addf %add3A_311, %slice3A_312 : vector<256x3xf32>
    %reduce_max3A_314 = arith.constant dense<0xFF800000> : vector<256xf32>
    %reduce_max3A_315 = vector.multi_reduction <maximumf>, %select_n3A_300, %reduce_max3A_314 [1] : vector<256x4096xf32> to vector<256xf32>
    %broadcast_in_dim3A_316 = vector.shape_cast %reduce_max3A_315 : vector<256xf32> to vector<256x1xf32>
    %eq3A_317 = vector.broadcast %broadcast_in_dim3A_316 : vector<256x1xf32> to vector<256x4096xf32>
    %eq3A_318 = arith.cmpf oeq, %select_n3A_300, %eq3A_317 : vector<256x4096xf32>
    %jit3A_319 = arith.constant 4096 : i32
    %broadcast_in_dim3A_320 = vector.broadcast %jit3A_319 : i32 to vector<256x4096xi32>
    %select_n3A_321 = arith.select %eq3A_318, %iota3A, %broadcast_in_dim3A_320 : vector<256x4096xi1>, vector<256x4096xi32>
    %reduce_min3A_322 = arith.constant dense<2147483647> : vector<256xi32>
    %reduce_min3A_323 = vector.multi_reduction <minsi>, %select_n3A_321, %reduce_min3A_322 [1] : vector<256x4096xi32> to vector<256xi32>
    %broadcast_in_dim3A_324 = vector.shape_cast %reduce_min3A_323 : vector<256xi32> to vector<256x1xi32>
    %eq3A_325 = vector.broadcast %broadcast_in_dim3A_324 : vector<256x1xi32> to vector<256x4096xi32>
    %eq3A_326 = arith.cmpi eq, %iota3A, %eq3A_325 : vector<256x4096xi32>
    %jit3A_327 = arith.constant 0xFF800000 : f32
    %broadcast_in_dim3A_328 = vector.broadcast %jit3A_327 : f32 to vector<256x4096xf32>
    %select_n3A_329 = arith.select %eq3A_326, %broadcast_in_dim3A_328, %select_n3A_300 : vector<256x4096xi1>, vector<256x4096xf32>
    %jit3A_330 = arith.constant 1.000000e+00 : f32
    %jit3A_331 = arith.constant 0.000000e+00 : f32
    %broadcast_in_dim3A_332 = vector.broadcast %jit3A_330 : f32 to vector<256x4096xf32>
    %broadcast_in_dim3A_333 = vector.broadcast %jit3A_331 : f32 to vector<256x4096xf32>
    %select_n3A_334 = arith.select %eq3A_326, %broadcast_in_dim3A_332, %broadcast_in_dim3A_333 : vector<256x4096xi1>, vector<256x4096xf32>
    %convert_element_type3A_335 = arith.truncf %select_n3A_334 : vector<256x4096xf32> to vector<256x4096xbf16>
    %dot_general3A_336 = arith.constant dense<0.000000e+00> : vector<256x9xf32>
    %dot_general3A_337 = tpu.matmul %convert_element_type3A_335, %concatenate3A, %dot_general3A_336 {dimension_numbers = #tpu.dot_dimension_numbers<[1], [0], [0], [1], [0, 0, 1, 1], [], []>, transpose_lhs_hint = false} : vector<256x4096xbf16>, vector<4096x9xbf16>, vector<256x9xf32> -> vector<256x9xf32>
    %slice3A_338 = vector.extract_strided_slice %dot_general3A_337 {offsets = [0, 0], sizes = [256, 3], strides = [1, 1]} : vector<256x9xf32> to vector<256x3xf32>
    %slice3A_339 = vector.extract_strided_slice %dot_general3A_337 {offsets = [0, 3], sizes = [256, 3], strides = [1, 1]} : vector<256x9xf32> to vector<256x3xf32>
    %add3A_340 = arith.addf %slice3A_338, %slice3A_339 : vector<256x3xf32>
    %slice3A_341 = vector.extract_strided_slice %dot_general3A_337 {offsets = [0, 6], sizes = [256, 3], strides = [1, 1]} : vector<256x9xf32> to vector<256x3xf32>
    %add3A_342 = arith.addf %add3A_340, %slice3A_341 : vector<256x3xf32>
    %reduce_max3A_343 = arith.constant dense<0xFF800000> : vector<256xf32>
    %reduce_max3A_344 = vector.multi_reduction <maximumf>, %select_n3A_329, %reduce_max3A_343 [1] : vector<256x4096xf32> to vector<256xf32>
    %broadcast_in_dim3A_345 = vector.shape_cast %reduce_max3A_344 : vector<256xf32> to vector<256x1xf32>
    %eq3A_346 = vector.broadcast %broadcast_in_dim3A_345 : vector<256x1xf32> to vector<256x4096xf32>
    %eq3A_347 = arith.cmpf oeq, %select_n3A_329, %eq3A_346 : vector<256x4096xf32>
    %jit3A_348 = arith.constant 4096 : i32
    %broadcast_in_dim3A_349 = vector.broadcast %jit3A_348 : i32 to vector<256x4096xi32>
    %select_n3A_350 = arith.select %eq3A_347, %iota3A, %broadcast_in_dim3A_349 : vector<256x4096xi1>, vector<256x4096xi32>
    %reduce_min3A_351 = arith.constant dense<2147483647> : vector<256xi32>
    %reduce_min3A_352 = vector.multi_reduction <minsi>, %select_n3A_350, %reduce_min3A_351 [1] : vector<256x4096xi32> to vector<256xi32>
    %broadcast_in_dim3A_353 = vector.shape_cast %reduce_min3A_352 : vector<256xi32> to vector<256x1xi32>
    %eq3A_354 = vector.broadcast %broadcast_in_dim3A_353 : vector<256x1xi32> to vector<256x4096xi32>
    %eq3A_355 = arith.cmpi eq, %iota3A, %eq3A_354 : vector<256x4096xi32>
    %jit3A_356 = arith.constant 0xFF800000 : f32
    %broadcast_in_dim3A_357 = vector.broadcast %jit3A_356 : f32 to vector<256x4096xf32>
    %select_n3A_358 = arith.select %eq3A_355, %broadcast_in_dim3A_357, %select_n3A_329 : vector<256x4096xi1>, vector<256x4096xf32>
    %jit3A_359 = arith.constant 1.000000e+00 : f32
    %jit3A_360 = arith.constant 0.000000e+00 : f32
    %broadcast_in_dim3A_361 = vector.broadcast %jit3A_359 : f32 to vector<256x4096xf32>
    %broadcast_in_dim3A_362 = vector.broadcast %jit3A_360 : f32 to vector<256x4096xf32>
    %select_n3A_363 = arith.select %eq3A_355, %broadcast_in_dim3A_361, %broadcast_in_dim3A_362 : vector<256x4096xi1>, vector<256x4096xf32>
    %convert_element_type3A_364 = arith.truncf %select_n3A_363 : vector<256x4096xf32> to vector<256x4096xbf16>
    %dot_general3A_365 = arith.constant dense<0.000000e+00> : vector<256x9xf32>
    %dot_general3A_366 = tpu.matmul %convert_element_type3A_364, %concatenate3A, %dot_general3A_365 {dimension_numbers = #tpu.dot_dimension_numbers<[1], [0], [0], [1], [0, 0, 1, 1], [], []>, transpose_lhs_hint = false} : vector<256x4096xbf16>, vector<4096x9xbf16>, vector<256x9xf32> -> vector<256x9xf32>
    %slice3A_367 = vector.extract_strided_slice %dot_general3A_366 {offsets = [0, 0], sizes = [256, 3], strides = [1, 1]} : vector<256x9xf32> to vector<256x3xf32>
    %slice3A_368 = vector.extract_strided_slice %dot_general3A_366 {offsets = [0, 3], sizes = [256, 3], strides = [1, 1]} : vector<256x9xf32> to vector<256x3xf32>
    %add3A_369 = arith.addf %slice3A_367, %slice3A_368 : vector<256x3xf32>
    %slice3A_370 = vector.extract_strided_slice %dot_general3A_366 {offsets = [0, 6], sizes = [256, 3], strides = [1, 1]} : vector<256x9xf32> to vector<256x3xf32>
    %add3A_371 = arith.addf %add3A_369, %slice3A_370 : vector<256x3xf32>
    %reduce_max3A_372 = arith.constant dense<0xFF800000> : vector<256xf32>
    %reduce_max3A_373 = vector.multi_reduction <maximumf>, %select_n3A_358, %reduce_max3A_372 [1] : vector<256x4096xf32> to vector<256xf32>
    %broadcast_in_dim3A_374 = vector.shape_cast %reduce_max3A_373 : vector<256xf32> to vector<256x1xf32>
    %eq3A_375 = vector.broadcast %broadcast_in_dim3A_374 : vector<256x1xf32> to vector<256x4096xf32>
    %eq3A_376 = arith.cmpf oeq, %select_n3A_358, %eq3A_375 : vector<256x4096xf32>
    %jit3A_377 = arith.constant 4096 : i32
    %broadcast_in_dim3A_378 = vector.broadcast %jit3A_377 : i32 to vector<256x4096xi32>
    %select_n3A_379 = arith.select %eq3A_376, %iota3A, %broadcast_in_dim3A_378 : vector<256x4096xi1>, vector<256x4096xi32>
    %reduce_min3A_380 = arith.constant dense<2147483647> : vector<256xi32>
    %reduce_min3A_381 = vector.multi_reduction <minsi>, %select_n3A_379, %reduce_min3A_380 [1] : vector<256x4096xi32> to vector<256xi32>
    %broadcast_in_dim3A_382 = vector.shape_cast %reduce_min3A_381 : vector<256xi32> to vector<256x1xi32>
    %eq3A_383 = vector.broadcast %broadcast_in_dim3A_382 : vector<256x1xi32> to vector<256x4096xi32>
    %eq3A_384 = arith.cmpi eq, %iota3A, %eq3A_383 : vector<256x4096xi32>
    %jit3A_385 = arith.constant 0xFF800000 : f32
    %broadcast_in_dim3A_386 = vector.broadcast %jit3A_385 : f32 to vector<256x4096xf32>
    %select_n3A_387 = arith.select %eq3A_384, %broadcast_in_dim3A_386, %select_n3A_358 : vector<256x4096xi1>, vector<256x4096xf32>
    %jit3A_388 = arith.constant 1.000000e+00 : f32
    %jit3A_389 = arith.constant 0.000000e+00 : f32
    %broadcast_in_dim3A_390 = vector.broadcast %jit3A_388 : f32 to vector<256x4096xf32>
    %broadcast_in_dim3A_391 = vector.broadcast %jit3A_389 : f32 to vector<256x4096xf32>
    %select_n3A_392 = arith.select %eq3A_384, %broadcast_in_dim3A_390, %broadcast_in_dim3A_391 : vector<256x4096xi1>, vector<256x4096xf32>
    %convert_element_type3A_393 = arith.truncf %select_n3A_392 : vector<256x4096xf32> to vector<256x4096xbf16>
    %dot_general3A_394 = arith.constant dense<0.000000e+00> : vector<256x9xf32>
    %dot_general3A_395 = tpu.matmul %convert_element_type3A_393, %concatenate3A, %dot_general3A_394 {dimension_numbers = #tpu.dot_dimension_numbers<[1], [0], [0], [1], [0, 0, 1, 1], [], []>, transpose_lhs_hint = false} : vector<256x4096xbf16>, vector<4096x9xbf16>, vector<256x9xf32> -> vector<256x9xf32>
    %slice3A_396 = vector.extract_strided_slice %dot_general3A_395 {offsets = [0, 0], sizes = [256, 3], strides = [1, 1]} : vector<256x9xf32> to vector<256x3xf32>
    %slice3A_397 = vector.extract_strided_slice %dot_general3A_395 {offsets = [0, 3], sizes = [256, 3], strides = [1, 1]} : vector<256x9xf32> to vector<256x3xf32>
    %add3A_398 = arith.addf %slice3A_396, %slice3A_397 : vector<256x3xf32>
    %slice3A_399 = vector.extract_strided_slice %dot_general3A_395 {offsets = [0, 6], sizes = [256, 3], strides = [1, 1]} : vector<256x9xf32> to vector<256x3xf32>
    %add3A_400 = arith.addf %add3A_398, %slice3A_399 : vector<256x3xf32>
    %reduce_max3A_401 = arith.constant dense<0xFF800000> : vector<256xf32>
    %reduce_max3A_402 = vector.multi_reduction <maximumf>, %select_n3A_387, %reduce_max3A_401 [1] : vector<256x4096xf32> to vector<256xf32>
    %broadcast_in_dim3A_403 = vector.shape_cast %reduce_max3A_402 : vector<256xf32> to vector<256x1xf32>
    %eq3A_404 = vector.broadcast %broadcast_in_dim3A_403 : vector<256x1xf32> to vector<256x4096xf32>
    %eq3A_405 = arith.cmpf oeq, %select_n3A_387, %eq3A_404 : vector<256x4096xf32>
    %jit3A_406 = arith.constant 4096 : i32
    %broadcast_in_dim3A_407 = vector.broadcast %jit3A_406 : i32 to vector<256x4096xi32>
    %select_n3A_408 = arith.select %eq3A_405, %iota3A, %broadcast_in_dim3A_407 : vector<256x4096xi1>, vector<256x4096xi32>
    %reduce_min3A_409 = arith.constant dense<2147483647> : vector<256xi32>
    %reduce_min3A_410 = vector.multi_reduction <minsi>, %select_n3A_408, %reduce_min3A_409 [1] : vector<256x4096xi32> to vector<256xi32>
    %broadcast_in_dim3A_411 = vector.shape_cast %reduce_min3A_410 : vector<256xi32> to vector<256x1xi32>
    %eq3A_412 = vector.broadcast %broadcast_in_dim3A_411 : vector<256x1xi32> to vector<256x4096xi32>
    %eq3A_413 = arith.cmpi eq, %iota3A, %eq3A_412 : vector<256x4096xi32>
    %jit3A_414 = arith.constant 0xFF800000 : f32
    %broadcast_in_dim3A_415 = vector.broadcast %jit3A_414 : f32 to vector<256x4096xf32>
    %select_n3A_416 = arith.select %eq3A_413, %broadcast_in_dim3A_415, %select_n3A_387 : vector<256x4096xi1>, vector<256x4096xf32>
    %jit3A_417 = arith.constant 1.000000e+00 : f32
    %jit3A_418 = arith.constant 0.000000e+00 : f32
    %broadcast_in_dim3A_419 = vector.broadcast %jit3A_417 : f32 to vector<256x4096xf32>
    %broadcast_in_dim3A_420 = vector.broadcast %jit3A_418 : f32 to vector<256x4096xf32>
    %select_n3A_421 = arith.select %eq3A_413, %broadcast_in_dim3A_419, %broadcast_in_dim3A_420 : vector<256x4096xi1>, vector<256x4096xf32>
    %convert_element_type3A_422 = arith.truncf %select_n3A_421 : vector<256x4096xf32> to vector<256x4096xbf16>
    %dot_general3A_423 = arith.constant dense<0.000000e+00> : vector<256x9xf32>
    %dot_general3A_424 = tpu.matmul %convert_element_type3A_422, %concatenate3A, %dot_general3A_423 {dimension_numbers = #tpu.dot_dimension_numbers<[1], [0], [0], [1], [0, 0, 1, 1], [], []>, transpose_lhs_hint = false} : vector<256x4096xbf16>, vector<4096x9xbf16>, vector<256x9xf32> -> vector<256x9xf32>
    %slice3A_425 = vector.extract_strided_slice %dot_general3A_424 {offsets = [0, 0], sizes = [256, 3], strides = [1, 1]} : vector<256x9xf32> to vector<256x3xf32>
    %slice3A_426 = vector.extract_strided_slice %dot_general3A_424 {offsets = [0, 3], sizes = [256, 3], strides = [1, 1]} : vector<256x9xf32> to vector<256x3xf32>
    %add3A_427 = arith.addf %slice3A_425, %slice3A_426 : vector<256x3xf32>
    %slice3A_428 = vector.extract_strided_slice %dot_general3A_424 {offsets = [0, 6], sizes = [256, 3], strides = [1, 1]} : vector<256x9xf32> to vector<256x3xf32>
    %add3A_429 = arith.addf %add3A_427, %slice3A_428 : vector<256x3xf32>
    %reduce_max3A_430 = arith.constant dense<0xFF800000> : vector<256xf32>
    %reduce_max3A_431 = vector.multi_reduction <maximumf>, %select_n3A_416, %reduce_max3A_430 [1] : vector<256x4096xf32> to vector<256xf32>
    %broadcast_in_dim3A_432 = vector.shape_cast %reduce_max3A_431 : vector<256xf32> to vector<256x1xf32>
    %eq3A_433 = vector.broadcast %broadcast_in_dim3A_432 : vector<256x1xf32> to vector<256x4096xf32>
    %eq3A_434 = arith.cmpf oeq, %select_n3A_416, %eq3A_433 : vector<256x4096xf32>
    %jit3A_435 = arith.constant 4096 : i32
    %broadcast_in_dim3A_436 = vector.broadcast %jit3A_435 : i32 to vector<256x4096xi32>
    %select_n3A_437 = arith.select %eq3A_434, %iota3A, %broadcast_in_dim3A_436 : vector<256x4096xi1>, vector<256x4096xi32>
    %reduce_min3A_438 = arith.constant dense<2147483647> : vector<256xi32>
    %reduce_min3A_439 = vector.multi_reduction <minsi>, %select_n3A_437, %reduce_min3A_438 [1] : vector<256x4096xi32> to vector<256xi32>
    %broadcast_in_dim3A_440 = vector.shape_cast %reduce_min3A_439 : vector<256xi32> to vector<256x1xi32>
    %eq3A_441 = vector.broadcast %broadcast_in_dim3A_440 : vector<256x1xi32> to vector<256x4096xi32>
    %eq3A_442 = arith.cmpi eq, %iota3A, %eq3A_441 : vector<256x4096xi32>
    %jit3A_443 = arith.constant 0xFF800000 : f32
    %broadcast_in_dim3A_444 = vector.broadcast %jit3A_443 : f32 to vector<256x4096xf32>
    %select_n3A_445 = arith.select %eq3A_442, %broadcast_in_dim3A_444, %select_n3A_416 : vector<256x4096xi1>, vector<256x4096xf32>
    %jit3A_446 = arith.constant 1.000000e+00 : f32
    %jit3A_447 = arith.constant 0.000000e+00 : f32
    %broadcast_in_dim3A_448 = vector.broadcast %jit3A_446 : f32 to vector<256x4096xf32>
    %broadcast_in_dim3A_449 = vector.broadcast %jit3A_447 : f32 to vector<256x4096xf32>
    %select_n3A_450 = arith.select %eq3A_442, %broadcast_in_dim3A_448, %broadcast_in_dim3A_449 : vector<256x4096xi1>, vector<256x4096xf32>
    %convert_element_type3A_451 = arith.truncf %select_n3A_450 : vector<256x4096xf32> to vector<256x4096xbf16>
    %dot_general3A_452 = arith.constant dense<0.000000e+00> : vector<256x9xf32>
    %dot_general3A_453 = tpu.matmul %convert_element_type3A_451, %concatenate3A, %dot_general3A_452 {dimension_numbers = #tpu.dot_dimension_numbers<[1], [0], [0], [1], [0, 0, 1, 1], [], []>, transpose_lhs_hint = false} : vector<256x4096xbf16>, vector<4096x9xbf16>, vector<256x9xf32> -> vector<256x9xf32>
    %slice3A_454 = vector.extract_strided_slice %dot_general3A_453 {offsets = [0, 0], sizes = [256, 3], strides = [1, 1]} : vector<256x9xf32> to vector<256x3xf32>
    %slice3A_455 = vector.extract_strided_slice %dot_general3A_453 {offsets = [0, 3], sizes = [256, 3], strides = [1, 1]} : vector<256x9xf32> to vector<256x3xf32>
    %add3A_456 = arith.addf %slice3A_454, %slice3A_455 : vector<256x3xf32>
    %slice3A_457 = vector.extract_strided_slice %dot_general3A_453 {offsets = [0, 6], sizes = [256, 3], strides = [1, 1]} : vector<256x9xf32> to vector<256x3xf32>
    %add3A_458 = arith.addf %add3A_456, %slice3A_457 : vector<256x3xf32>
    %reduce_max3A_459 = arith.constant dense<0xFF800000> : vector<256xf32>
    %reduce_max3A_460 = vector.multi_reduction <maximumf>, %select_n3A_445, %reduce_max3A_459 [1] : vector<256x4096xf32> to vector<256xf32>
    %broadcast_in_dim3A_461 = vector.shape_cast %reduce_max3A_460 : vector<256xf32> to vector<256x1xf32>
    %eq3A_462 = vector.broadcast %broadcast_in_dim3A_461 : vector<256x1xf32> to vector<256x4096xf32>
    %eq3A_463 = arith.cmpf oeq, %select_n3A_445, %eq3A_462 : vector<256x4096xf32>
    %jit3A_464 = arith.constant 4096 : i32
    %broadcast_in_dim3A_465 = vector.broadcast %jit3A_464 : i32 to vector<256x4096xi32>
    %select_n3A_466 = arith.select %eq3A_463, %iota3A, %broadcast_in_dim3A_465 : vector<256x4096xi1>, vector<256x4096xi32>
    %reduce_min3A_467 = arith.constant dense<2147483647> : vector<256xi32>
    %reduce_min3A_468 = vector.multi_reduction <minsi>, %select_n3A_466, %reduce_min3A_467 [1] : vector<256x4096xi32> to vector<256xi32>
    %broadcast_in_dim3A_469 = vector.shape_cast %reduce_min3A_468 : vector<256xi32> to vector<256x1xi32>
    %eq3A_470 = vector.broadcast %broadcast_in_dim3A_469 : vector<256x1xi32> to vector<256x4096xi32>
    %eq3A_471 = arith.cmpi eq, %iota3A, %eq3A_470 : vector<256x4096xi32>
    %jit3A_472 = arith.constant 0xFF800000 : f32
    %broadcast_in_dim3A_473 = vector.broadcast %jit3A_472 : f32 to vector<256x4096xf32>
    %select_n3A_474 = arith.select %eq3A_471, %broadcast_in_dim3A_473, %select_n3A_445 : vector<256x4096xi1>, vector<256x4096xf32>
    %jit3A_475 = arith.constant 1.000000e+00 : f32
    %jit3A_476 = arith.constant 0.000000e+00 : f32
    %broadcast_in_dim3A_477 = vector.broadcast %jit3A_475 : f32 to vector<256x4096xf32>
    %broadcast_in_dim3A_478 = vector.broadcast %jit3A_476 : f32 to vector<256x4096xf32>
    %select_n3A_479 = arith.select %eq3A_471, %broadcast_in_dim3A_477, %broadcast_in_dim3A_478 : vector<256x4096xi1>, vector<256x4096xf32>
    %convert_element_type3A_480 = arith.truncf %select_n3A_479 : vector<256x4096xf32> to vector<256x4096xbf16>
    %dot_general3A_481 = arith.constant dense<0.000000e+00> : vector<256x9xf32>
    %dot_general3A_482 = tpu.matmul %convert_element_type3A_480, %concatenate3A, %dot_general3A_481 {dimension_numbers = #tpu.dot_dimension_numbers<[1], [0], [0], [1], [0, 0, 1, 1], [], []>, transpose_lhs_hint = false} : vector<256x4096xbf16>, vector<4096x9xbf16>, vector<256x9xf32> -> vector<256x9xf32>
    %slice3A_483 = vector.extract_strided_slice %dot_general3A_482 {offsets = [0, 0], sizes = [256, 3], strides = [1, 1]} : vector<256x9xf32> to vector<256x3xf32>
    %slice3A_484 = vector.extract_strided_slice %dot_general3A_482 {offsets = [0, 3], sizes = [256, 3], strides = [1, 1]} : vector<256x9xf32> to vector<256x3xf32>
    %add3A_485 = arith.addf %slice3A_483, %slice3A_484 : vector<256x3xf32>
    %slice3A_486 = vector.extract_strided_slice %dot_general3A_482 {offsets = [0, 6], sizes = [256, 3], strides = [1, 1]} : vector<256x9xf32> to vector<256x3xf32>
    %add3A_487 = arith.addf %add3A_485, %slice3A_486 : vector<256x3xf32>
    %reduce_max3A_488 = arith.constant dense<0xFF800000> : vector<256xf32>
    %reduce_max3A_489 = vector.multi_reduction <maximumf>, %select_n3A_474, %reduce_max3A_488 [1] : vector<256x4096xf32> to vector<256xf32>
    %broadcast_in_dim3A_490 = vector.shape_cast %reduce_max3A_489 : vector<256xf32> to vector<256x1xf32>
    %eq3A_491 = vector.broadcast %broadcast_in_dim3A_490 : vector<256x1xf32> to vector<256x4096xf32>
    %eq3A_492 = arith.cmpf oeq, %select_n3A_474, %eq3A_491 : vector<256x4096xf32>
    %jit3A_493 = arith.constant 4096 : i32
    %broadcast_in_dim3A_494 = vector.broadcast %jit3A_493 : i32 to vector<256x4096xi32>
    %select_n3A_495 = arith.select %eq3A_492, %iota3A, %broadcast_in_dim3A_494 : vector<256x4096xi1>, vector<256x4096xi32>
    %reduce_min3A_496 = arith.constant dense<2147483647> : vector<256xi32>
    %reduce_min3A_497 = vector.multi_reduction <minsi>, %select_n3A_495, %reduce_min3A_496 [1] : vector<256x4096xi32> to vector<256xi32>
    %broadcast_in_dim3A_498 = vector.shape_cast %reduce_min3A_497 : vector<256xi32> to vector<256x1xi32>
    %eq3A_499 = vector.broadcast %broadcast_in_dim3A_498 : vector<256x1xi32> to vector<256x4096xi32>
    %eq3A_500 = arith.cmpi eq, %iota3A, %eq3A_499 : vector<256x4096xi32>
    %jit3A_501 = arith.constant 1.000000e+00 : f32
    %jit3A_502 = arith.constant 0.000000e+00 : f32
    %broadcast_in_dim3A_503 = vector.broadcast %jit3A_501 : f32 to vector<256x4096xf32>
    %broadcast_in_dim3A_504 = vector.broadcast %jit3A_502 : f32 to vector<256x4096xf32>
    %select_n3A_505 = arith.select %eq3A_500, %broadcast_in_dim3A_503, %broadcast_in_dim3A_504 : vector<256x4096xi1>, vector<256x4096xf32>
    %convert_element_type3A_506 = arith.truncf %select_n3A_505 : vector<256x4096xf32> to vector<256x4096xbf16>
    %dot_general3A_507 = arith.constant dense<0.000000e+00> : vector<256x9xf32>
    %dot_general3A_508 = tpu.matmul %convert_element_type3A_506, %concatenate3A, %dot_general3A_507 {dimension_numbers = #tpu.dot_dimension_numbers<[1], [0], [0], [1], [0, 0, 1, 1], [], []>, transpose_lhs_hint = false} : vector<256x4096xbf16>, vector<4096x9xbf16>, vector<256x9xf32> -> vector<256x9xf32>
    %slice3A_509 = vector.extract_strided_slice %dot_general3A_508 {offsets = [0, 0], sizes = [256, 3], strides = [1, 1]} : vector<256x9xf32> to vector<256x3xf32>
    %slice3A_510 = vector.extract_strided_slice %dot_general3A_508 {offsets = [0, 3], sizes = [256, 3], strides = [1, 1]} : vector<256x9xf32> to vector<256x3xf32>
    %add3A_511 = arith.addf %slice3A_509, %slice3A_510 : vector<256x3xf32>
    %slice3A_512 = vector.extract_strided_slice %dot_general3A_508 {offsets = [0, 6], sizes = [256, 3], strides = [1, 1]} : vector<256x9xf32> to vector<256x3xf32>
    %add3A_513 = arith.addf %add3A_511, %slice3A_512 : vector<256x3xf32>
    %add3A_514 = arith.addf %add3A_81, %add3A_313 : vector<256x3xf32>
    %add3A_515 = arith.addf %add3A_110, %add3A_342 : vector<256x3xf32>
    %add3A_516 = arith.addf %add3A_139, %add3A_371 : vector<256x3xf32>
    %add3A_517 = arith.addf %add3A_168, %add3A_400 : vector<256x3xf32>
    %add3A_518 = arith.addf %add3A_197, %add3A_429 : vector<256x3xf32>
    %add3A_519 = arith.addf %add3A_226, %add3A_458 : vector<256x3xf32>
    %add3A_520 = arith.addf %add3A_255, %add3A_487 : vector<256x3xf32>
    %add3A_521 = arith.addf %add3A_284, %add3A_513 : vector<256x3xf32>
    %add3A_522 = arith.addf %add3A_514, %add3A_518 : vector<256x3xf32>
    %add3A_523 = arith.addf %add3A_515, %add3A_519 : vector<256x3xf32>
    %add3A_524 = arith.addf %add3A_516, %add3A_520 : vector<256x3xf32>
    %add3A_525 = arith.addf %add3A_517, %add3A_521 : vector<256x3xf32>
    %add3A_526 = arith.addf %add3A_522, %add3A_524 : vector<256x3xf32>
    %add3A_527 = arith.addf %add3A_523, %add3A_525 : vector<256x3xf32>
    %add3A_528 = arith.addf %add3A_526, %add3A_527 : vector<256x3xf32>
    %mul3A_529 = arith.constant 6.250000e-02 : f32
    %mul3A_530 = vector.broadcast %mul3A_529 : f32 to vector<256x3xf32>
    %mul3A_531 = arith.mulf %add3A_528, %mul3A_530 : vector<256x3xf32>
    %sub3A_532 = arith.subf %add3A_81, %mul3A_531 : vector<256x3xf32>
    %sub3A_533 = arith.subf %add3A_81, %mul3A_531 : vector<256x3xf32>
    %mul3A_534 = arith.mulf %sub3A_532, %sub3A_533 : vector<256x3xf32>
    %sub3A_535 = arith.subf %add3A_110, %mul3A_531 : vector<256x3xf32>
    %sub3A_536 = arith.subf %add3A_110, %mul3A_531 : vector<256x3xf32>
    %mul3A_537 = arith.mulf %sub3A_535, %sub3A_536 : vector<256x3xf32>
    %sub3A_538 = arith.subf %add3A_139, %mul3A_531 : vector<256x3xf32>
    %sub3A_539 = arith.subf %add3A_139, %mul3A_531 : vector<256x3xf32>
    %mul3A_540 = arith.mulf %sub3A_538, %sub3A_539 : vector<256x3xf32>
    %sub3A_541 = arith.subf %add3A_168, %mul3A_531 : vector<256x3xf32>
    %sub3A_542 = arith.subf %add3A_168, %mul3A_531 : vector<256x3xf32>
    %mul3A_543 = arith.mulf %sub3A_541, %sub3A_542 : vector<256x3xf32>
    %sub3A_544 = arith.subf %add3A_197, %mul3A_531 : vector<256x3xf32>
    %sub3A_545 = arith.subf %add3A_197, %mul3A_531 : vector<256x3xf32>
    %mul3A_546 = arith.mulf %sub3A_544, %sub3A_545 : vector<256x3xf32>
    %sub3A_547 = arith.subf %add3A_226, %mul3A_531 : vector<256x3xf32>
    %sub3A_548 = arith.subf %add3A_226, %mul3A_531 : vector<256x3xf32>
    %mul3A_549 = arith.mulf %sub3A_547, %sub3A_548 : vector<256x3xf32>
    %sub3A_550 = arith.subf %add3A_255, %mul3A_531 : vector<256x3xf32>
    %sub3A_551 = arith.subf %add3A_255, %mul3A_531 : vector<256x3xf32>
    %mul3A_552 = arith.mulf %sub3A_550, %sub3A_551 : vector<256x3xf32>
    %sub3A_553 = arith.subf %add3A_284, %mul3A_531 : vector<256x3xf32>
    %sub3A_554 = arith.subf %add3A_284, %mul3A_531 : vector<256x3xf32>
    %mul3A_555 = arith.mulf %sub3A_553, %sub3A_554 : vector<256x3xf32>
    %sub3A_556 = arith.subf %add3A_313, %mul3A_531 : vector<256x3xf32>
    %sub3A_557 = arith.subf %add3A_313, %mul3A_531 : vector<256x3xf32>
    %mul3A_558 = arith.mulf %sub3A_556, %sub3A_557 : vector<256x3xf32>
    %sub3A_559 = arith.subf %add3A_342, %mul3A_531 : vector<256x3xf32>
    %sub3A_560 = arith.subf %add3A_342, %mul3A_531 : vector<256x3xf32>
    %mul3A_561 = arith.mulf %sub3A_559, %sub3A_560 : vector<256x3xf32>
    %sub3A_562 = arith.subf %add3A_371, %mul3A_531 : vector<256x3xf32>
    %sub3A_563 = arith.subf %add3A_371, %mul3A_531 : vector<256x3xf32>
    %mul3A_564 = arith.mulf %sub3A_562, %sub3A_563 : vector<256x3xf32>
    %sub3A_565 = arith.subf %add3A_400, %mul3A_531 : vector<256x3xf32>
    %sub3A_566 = arith.subf %add3A_400, %mul3A_531 : vector<256x3xf32>
    %mul3A_567 = arith.mulf %sub3A_565, %sub3A_566 : vector<256x3xf32>
    %sub3A_568 = arith.subf %add3A_429, %mul3A_531 : vector<256x3xf32>
    %sub3A_569 = arith.subf %add3A_429, %mul3A_531 : vector<256x3xf32>
    %mul3A_570 = arith.mulf %sub3A_568, %sub3A_569 : vector<256x3xf32>
    %sub3A_571 = arith.subf %add3A_458, %mul3A_531 : vector<256x3xf32>
    %sub3A_572 = arith.subf %add3A_458, %mul3A_531 : vector<256x3xf32>
    %mul3A_573 = arith.mulf %sub3A_571, %sub3A_572 : vector<256x3xf32>
    %sub3A_574 = arith.subf %add3A_487, %mul3A_531 : vector<256x3xf32>
    %sub3A_575 = arith.subf %add3A_487, %mul3A_531 : vector<256x3xf32>
    %mul3A_576 = arith.mulf %sub3A_574, %sub3A_575 : vector<256x3xf32>
    %sub3A_577 = arith.subf %add3A_513, %mul3A_531 : vector<256x3xf32>
    %sub3A_578 = arith.subf %add3A_513, %mul3A_531 : vector<256x3xf32>
    %mul3A_579 = arith.mulf %sub3A_577, %sub3A_578 : vector<256x3xf32>
    %add3A_580 = arith.addf %mul3A_534, %mul3A_558 : vector<256x3xf32>
    %add3A_581 = arith.addf %mul3A_537, %mul3A_561 : vector<256x3xf32>
    %add3A_582 = arith.addf %mul3A_540, %mul3A_564 : vector<256x3xf32>
    %add3A_583 = arith.addf %mul3A_543, %mul3A_567 : vector<256x3xf32>
    %add3A_584 = arith.addf %mul3A_546, %mul3A_570 : vector<256x3xf32>
    %add3A_585 = arith.addf %mul3A_549, %mul3A_573 : vector<256x3xf32>
    %add3A_586 = arith.addf %mul3A_552, %mul3A_576 : vector<256x3xf32>
    %add3A_587 = arith.addf %mul3A_555, %mul3A_579 : vector<256x3xf32>
    %add3A_588 = arith.addf %add3A_580, %add3A_584 : vector<256x3xf32>
    %add3A_589 = arith.addf %add3A_581, %add3A_585 : vector<256x3xf32>
    %add3A_590 = arith.addf %add3A_582, %add3A_586 : vector<256x3xf32>
    %add3A_591 = arith.addf %add3A_583, %add3A_587 : vector<256x3xf32>
    %add3A_592 = arith.addf %add3A_588, %add3A_590 : vector<256x3xf32>
    %add3A_593 = arith.addf %add3A_589, %add3A_591 : vector<256x3xf32>
    %add3A_594 = arith.addf %add3A_592, %add3A_593 : vector<256x3xf32>
    %mul3A_595 = arith.constant 0.0666666701 : f32
    %mul3A_596 = vector.broadcast %mul3A_595 : f32 to vector<256x3xf32>
    %mul3A_597 = arith.mulf %add3A_594, %mul3A_596 : vector<256x3xf32>
    %sqrt3A = math.sqrt %mul3A_597 : vector<256x3xf32>
    %slice3A_598 = vector.extract_strided_slice %sqrt3A {offsets = [0, 0], sizes = [256, 1], strides = [1, 1]} : vector<256x3xf32> to vector<256x1xf32>
    %squeeze3A_599 = vector.shape_cast %slice3A_598 : vector<256x1xf32> to vector<256xf32>
    %slice3A_600 = vector.extract_strided_slice %sqrt3A {offsets = [0, 2], sizes = [256, 1], strides = [1, 1]} : vector<256x3xf32> to vector<256x1xf32>
    %squeeze3A_601 = vector.shape_cast %slice3A_600 : vector<256x1xf32> to vector<256xf32>
    %add3A_602 = arith.addf %squeeze3A_599, %squeeze3A_601 : vector<256xf32>
    %slice3A_603 = vector.extract_strided_slice %sqrt3A {offsets = [0, 1], sizes = [256, 1], strides = [1, 1]} : vector<256x3xf32> to vector<256x1xf32>
    %squeeze3A_604 = vector.shape_cast %slice3A_603 : vector<256x1xf32> to vector<256xf32>
    %add3A_605 = arith.addf %add3A_602, %squeeze3A_604 : vector<256xf32>
    %swap3A = arith.constant 0 : index
    %swap3A_606 = arith.constant 0 : index
    %swap3A_607 = arith.constant 0 : index
    %swap3A_608 = vector.load %arg5[%swap3A, %swap3A_606, %swap3A_607] : memref<1x1x256xf32, #tpu.memory_space<vmem>>, vector<1x1x256xf32>
    %swap3A_609 = vector.shape_cast %swap3A_608 : vector<1x1x256xf32> to vector<256xf32>
    %swap3A_610 = vector.shape_cast %add3A_605 : vector<256xf32> to vector<1x1x256xf32>
    tpu.vector_store %arg5[%swap3A, %swap3A_606, %swap3A_607], %swap3A_610 {strides = array<i32>} : memref<1x1x256xf32, #tpu.memory_space<vmem>>, vector<1x1x256xf32>,
    return
  }
  func.func @transform_0(%arg0: i32, %arg1: i32) -> (i32, i32, i32) {
    %c0_i32 = arith.constant 0 : i32
    %c0_i32_0 = arith.constant 0 : i32
    %c0_i32_1 = arith.constant 0 : i32
    return %arg0, %c0_i32, %c0_i32_0 : i32, i32, i32
  }
  func.func @transform_1(%arg0: i32, %arg1: i32) -> (i32, i32, i32) {
    %c0_i32 = arith.constant 0 : i32
    %c0_i32_0 = arith.constant 0 : i32
    return %arg0, %c0_i32, %arg1 : i32, i32, i32
  }
  func.func @transform_2(%arg0: i32, %arg1: i32) -> (i32, i32, i32) {
    %c0_i32 = arith.constant 0 : i32
    %c0_i32_0 = arith.constant 0 : i32
    %c0_i32_1 = arith.constant 0 : i32
    return %arg0, %c0_i32, %c0_i32_0 : i32, i32, i32
  }
  func.func @transform_3(%arg0: i32, %arg1: i32) -> (i32, i32, i32) {
    %mul3A = arith.constant 16 : i32
    %mul3A_0 = arith.muli %arg0, %mul3A : i32
    %add3A = arith.addi %mul3A_0, %arg1 : i32
    %c0_i32 = arith.constant 0 : i32
    %c0_i32_1 = arith.constant 0 : i32
    %c0_i32_2 = arith.constant 0 : i32
    return %add3A, %c0_i32, %c0_i32_1 : i32, i32, i32
  }
}

</mosaic_0001>

<sc_bundles>
// kernel: gather_offload_async_start.1
scs
__scs_entry_jumppad:
0x0: {  	(pc) =	sbr.rel $0x88, $3  }
0x1: {  	(tag) =	ssettag $0x0;
	lr =	simm.s32 $0x1  }
0x2: {  	[smem:$0x3F9F] =	sst lr;
	_ =	strace $0xD0000000  }
0x3: {  	_ = 	snop  }
0x4: {  	_ = 	snop  }
0x5: {  	_ = 	snop  }
0x6: {  	_ = 	snop  }
0x7: {  	_ = 	snop  }
__scs_overlays_trampoline_lowered:
0x8: {  	[smem:$0x3FAE] =	sst s0  }
0x9: {  	[smem:$0x3FAF] =	sst s1  }
0xa: {  	[smem:$0x3FB0] =	sst s2  }
0xb: {  	[smem:$0x3FB1] =	sst s3  }
0xc: {  	[smem:$0x3FB2] =	sst s4  }
0xd: {  	[smem:$0x3FB3] =	sst s5  }
0xe: {  	[smem:$0x3FB4] =	sst s6  }
0xf: {  	[smem:$0x3FB5] =	sst s7  }
0x10: {  	[smem:$0x3FB6] =	sst s8  }
0x11: {  	[smem:$0x3FB7] =	sst s9;
	s0 =	simm.s32 @!p0 $0x0  }
0x12: {  	s1 =	sld [smem:$0x3F9D];
	s0 =	simm.s32 @p0 $0x1  }
0x13: {  	[smem:$0x3FB8] =	sst s0;
	s0 =	simm.s32 @!p1 $0x0  }
0x14: {  	s2 =	sld [smem:$0x3F9C];
	s0 =	simm.s32 @p1 $0x1  }
0x15: {  	[smem:$0x3FB9] =	sst s0;
	s0 =	simm.s32 @!p2 $0x0  }
0x16: {  	s3 =	sld [smem:$0x3FDB];
	s0 =	simm.s32 @p2 $0x1  }
0x17: {  	s4 =	simm.s32 $0x1BF5;
	[smem:$0x3FBB] =	sst s0  }
0x18: {  	s0 =	sld [smem:$0x3F9E];
	_ =	swait.ge [sflag:s4], $0x0  }
0x19: {  	s7 =	sld [smem:$0x3F9F]  }
0x1a: {  	s8 =	sadd.s32 $0xFFFFE003, lr  }
0x1b: {  	s9 =	sadd.s32 $0xFFFFFEF7, lr;
	s5 =	simm.s32 $0xFFFFFFFF;
	p2 =	slt.u32 s8, $0xFFFFF086  }
0x1c: {  	p1 =	slt.u32 s9, $0xF7A;
	s5 =	simm.s32 @!p2 $0x0  }
0x1d: {  	s5 =	simm.s32 @p1 $0x1;
	p0 =	seq.s32 s7, s2  }
0x1e: {  	s7 =	smul.u32 @!p0 $0xF7A, s2;
	p2 =	seq.s32 @!p0 s5, $0x0  }
0x1f: {  	s9 =	smul.u32 $0xF7A, s1;
	s8 =	simm.s32 @!p0 $0x1BF5;
	p2 =	por !p2, p0  }
0x20: {  	[sflag:s8] =	ssyncset.s32 @!p0 $0xFFFFF086;
	s6 =	sadd.s32 @!p0 s3, s7;
	s7 =	simm.s32 @!p0 $0x108  }
0x21: {  	s3 =	sadd.s32 s3, s9;
	s6 =	sadd.s32 @!p0 $0x88, s6;
	s7 =	simm.s32 @p2 $0x1082  }
0x22: {  	[simem:s7], [sflag:s8] =	dma.local @!p0 [hbm:s6], $0xF7A  }
0x23: {  	s9 =	sor.u32 $0xD0000000, s2;
	s6 =	simm.s32 $0x108;
	_ =	swait.ge @!p0 [sflag:s8], $0x0  }
0x24: {  	s3 =	sadd.s32 $0x88, s3;
	s6 =	simm.s32 @!p1 $0x1082;
	[sflag:s4] =	ssyncset.s32 $0xFFFFF086  }
0x25: {  	[simem:s6], [sflag:s4] =	dma.local [hbm:s3], $0xF7A  }
0x26: {  	[smem:$0x3F9F] =	sst s1;
	(tag) =	ssettag s2;
	_ =	strace s9  }
0x27: {  	s1 =	sld [smem:$0x3FAF]  }
0x28: {  	s2 =	sld [smem:$0x3FB0]  }
0x29: {  	s4 =	sld [smem:$0x3FB2]  }
0x2a: {  	p0 =	seq.s32 s5, $0x0;
	s5 =	sld [smem:$0x3FB3]  }
0x2b: {  	s6 =	sld [smem:$0x3FB4]  }
0x2c: {  	s7 =	sld [smem:$0x3FB5]  }
0x2d: {  	s3 =	simm.s32 $0x108;
	s8 =	sld [smem:$0x3FB6]  }
0x2e: {  	s3 =	simm.s32 @!p0 $0x1082;
	s9 =	sld [smem:$0x3FB7]  }
0x2f: {  	lr =	sadd.s32 s0, s3;
	s0 =	sld [smem:$0x3FAE]  }
0x30: {  	s3 =	sld [smem:$0x3FB1]  }
0x31: {  	[smem:$0x3FBA] =	sst s10  }
0x32: {  	s10 =	sld [smem:$0x3FB8];
	_ =	sdelay $0x3  }
0x33: {  	p0 =	seq.s32 s10, $0x1;
	s10 =	sld [smem:$0x3FBA];
	_ =	sdelay $0x3  }
0x34: {  	[smem:$0x3FBA] =	sst s10  }
0x35: {  	s10 =	sld [smem:$0x3FB9];
	_ =	sdelay $0x3  }
0x36: {  	p1 =	seq.s32 s10, $0x1;
	s10 =	sld [smem:$0x3FBA];
	_ =	sdelay $0x3  }
0x37: {  	[smem:$0x3FBA] =	sst s10  }
0x38: {  	s10 =	sld [smem:$0x3FBB]  }
0x39: {  	_ = 	snop;
	(pc) =	sbr.ind lr, $3  }
0x3a: {  	_ = 	snop  }
0x3b: {  	_ = 	snop  }
0x3c: {  	p2 =	seq.s32 s10, $0x1;
	s10 =	sld [smem:$0x3FBA]  }
0x3d: {  	_ =	shalt  }
0x3e: {  	_ =	shalt  }
0x3f: {  	_ =	shalt  }
0x40: {  	_ =	shalt  }
0x41: {  	_ =	shalt  }
0x42: {  	_ =	shalt  }
0x43: {  	_ =	shalt  }
0x44: {  	_ =	shalt  }
0x45: {  	_ =	shalt  }
0x46: {  	_ =	shalt  }
0x47: {  	_ =	shalt  }
0x48: {  	_ =	shalt  }
0x49: {  	_ =	shalt  }
0x4a: {  	_ =	shalt  }
0x4b: {  	_ =	shalt  }
0x4c: {  	_ =	shalt  }
0x4d: {  	_ =	shalt  }
0x4e: {  	_ =	shalt  }
0x4f: {  	_ =	shalt  }
0x50: {  	_ =	shalt  }
0x51: {  	_ =	shalt  }
0x52: {  	_ =	shalt  }
0x53: {  	_ =	shalt  }
0x54: {  	_ =	shalt  }
0x55: {  	_ =	shalt  }
0x56: {  	_ =	shalt  }
0x57: {  	_ =	shalt  }
0x58: {  	_ =	shalt  }
0x59: {  	_ =	shalt  }
0x5a: {  	_ =	shalt  }
0x5b: {  	_ =	shalt  }
0x5c: {  	_ =	shalt  }
0x5d: {  	_ =	shalt  }
0x5e: {  	_ =	shalt  }
0x5f: {  	_ =	shalt  }
0x60: {  	_ =	shalt  }
0x61: {  	_ =	shalt  }
0x62: {  	_ =	shalt  }
0x63: {  	_ =	shalt  }
0x64: {  	_ =	shalt  }
0x65: {  	_ =	shalt  }
0x66: {  	_ =	shalt  }
0x67: {  	_ =	shalt  }
0x68: {  	_ =	shalt  }
0x69: {  	_ =	shalt  }
0x6a: {  	_ =	shalt  }
0x6b: {  	_ =	shalt  }
0x6c: {  	_ =	shalt  }
0x6d: {  	_ =	shalt  }
0x6e: {  	_ =	shalt  }
0x6f: {  	_ =	shalt  }
0x70: {  	_ =	shalt  }
0x71: {  	_ =	shalt  }
0x72: {  	_ =	shalt  }
0x73: {  	_ =	shalt  }
0x74: {  	_ =	shalt  }
0x75: {  	_ =	shalt  }
0x76: {  	_ =	shalt  }
0x77: {  	_ =	shalt  }
0x78: {  	_ =	shalt  }
0x79: {  	_ =	shalt  }
0x7a: {  	_ =	shalt  }
0x7b: {  	_ =	shalt  }
0x7c: {  	_ =	shalt  }
0x7d: {  	_ =	shalt  }
0x7e: {  	_ =	shalt  }
0x7f: {  	_ =	shalt  }
0x80: {  	_ =	shalt  }
0x81: {  	_ =	shalt  }
0x82: {  	_ =	shalt  }
0x83: {  	_ =	shalt  }
0x84: {  	_ =	shalt  }
0x85: {  	_ =	shalt  }
0x86: {  	_ =	shalt  }
0x87: {  	_ =	shalt  }
.Lfunc_end0:
.L_simem_size_0:
called_computation.1_lowered:
.L_overlay_start_0:
0x88: {  	s2 =	sld [smem:$0x3FD9]  }
0x89: {  	s3 =	sld [smem:$0x3FFE];
	_ =	sdelay $0x1  }
0x8a: {  	s1 =	srdreg.scid  }
0x8b: {  	s0 =	sand.u32 $0x1, s1  }
0x8c: {  	s17 =	sshll.u32 s0, $0xA;
	s2 =	sadd.s32 s3, s2  }
0x8d: {  	s2 =	sadd.s32 s2, s17  }
0x8e: {  	[smem:$0x3FC6] =	sst s2  }
0x8f: {  	_ = 	snop  }
0x90: {  	(tm) =	ssettm $0x1  }
0x91: {  	s18 =	sld [smem:$0x3FFB];
	_ =	sdelay $0x3  }
0x92: {  	_ =	strace s18  }
0x93: {  	s2 =	sld [smem:$0x3FFC];
	_ =	sdelay $0x3  }
0x94: {  	_ =	strace s2  }
0x95: {  	s2 =	sld [smem:$0x3FFD];
	_ =	sdelay $0x3  }
0x96: {  	_ =	strace s2  }
0x97: {  	_ =	strace $0x8FFFFFFF  }
0x98: {  	s19 =	sld [smem:$0x3FDB];
	_ =	sdelay $0x1  }
0x99: {  	s20 =	simm.s32 $_scs_section_size  }
0x9a: {  	s4 =	simm.s32 $_size__tile_overlayer_lowered;
	s5 =	simm.s32 $_tile_overlayer_lowered  }
0x9b: {  	s6 =	simm.s32 $0x1BFF;
	s21 =	sshll.u32 s5, $0x1;
	s3 =	sadd.s32 s20, s19  }
0x9c: {  	s22 =	simm.s32 $0x0;
	s4 =	sshll.u32 s4, $0x1;
	s5 =	sadd.s32 s21, s3  }
0x9d: {  	[timem:s22], [sflag:s6] =	dma.local [hbm:s5], s4  }
0x9e: {  	_ =	swait.ge [sflag:s6], s4  }
0x9f: {  	s4 =	ssub.s32 $0x0, s4;
	[sflag:s6] =	ssyncset.done $0x0  }
0xa0: {  	[sflag:s6] =	ssyncadd.s32 s4;
	_ =	sdelay $0x1  }
0xa1: {  	s23 =	simm.s32 $0x1B8B  }
0xa2: {  	_ =	swait.ge [sflag:s23], $0x1  }
0xa3: {  	[sflag:s23] =	ssyncset.done $0x0  }
0xa4: {  	[sflag:s23] =	ssyncadd.s32 $0xFFFFFFFF  }
0xa5: {  	s4 =	sld [smem:$0x0]  }
0xa6: {  	s5 =	sand.u32 $0xFFFFFFFE, s1  }
0xa7: {  	p0 =	sne.s32 s1, s5  }
0xa8: {  	s5 =	sshll.u32 @p0 s5, $0xE  }
0xa9: {  	s5 =	sadd.s32 @p0 $0x11B8D, s5;
	s6 =	sshll.u32 @p0 s4, $0x11  }
0xaa: {  	s5 =	sor.u32 @p0 s6, s5  }
0xab: {  	[sflag:s5] =	ssyncadd.remote.s32 @p0 $0x1;
	_ =	sdelay $0x1  }
0xac: {  	s5 =	simm.s32 @p0 $0x1B8D  }
0xad: {  	_ =	swait.eq @p0 [sflag:s5], $0x1  }
0xae: {  	[sflag:s5] =	ssyncadd.s32 @p0 $0xFFFFFFFF  }
0xaf: {  	s6 =	sshll.u32 @!p0 s1, $0xE  }
0xb0: {  	s6 =	sor.u32 @!p0 $0x4000, s6;
	s5 =	simm.s32 @!p0 $0x1B8D  }
0xb1: {  	s4 =	sshll.u32 @!p0 s4, $0x11;
	s6 =	sadd.s32 @!p0 $0x11B8D, s6;
	_ =	swait.eq @!p0 [sflag:s5], $0x1  }
0xb2: {  	s4 =	sor.u32 @!p0 s4, s6;
	[sflag:s5] =	ssyncadd.s32 @!p0 $0xFFFFFFFF  }
0xb3: {  	s25 =	simm.s32 $0x1B8E;
	s24 =	sld [smem:$0x3FFE];
	[sflag:s4] =	ssyncadd.remote.s32 @!p0 $0x1  }
0xb4: {  	s26 =	simm.s32 $execute0_lowered;
	[smem:$0x3FD2] =	sst s25  }
0xb5: {  	s5 =	sshll.u32 s26, $0x1;
	_ =	strace $0x80000049;
	[dreg:$0x1] =	wrdreg $0xFFFFFFFF  }
0xb6: {  	s28 =	simm.s32 $_size_execute0_lowered;
	s3 =	sadd.s32 s3, s5;
	[dreg:$0x0] =	wrdreg $0x0  }
0xb7: {  	s5 =	sshll.u32 s28, $0x1;
	[dreg:$0x2] =	wrdreg s3  }
0xb8: {  	[dreg:$0x3] =	wrdreg s5  }
0xb9: {  	[dreg:$0x4] =	wrdreg $0xC0  }
0xba: {  	_ =	task [dreg:s22], $0x5FFFF  }
0xbb: {  	[dreg:$0x1] =	wrdreg $0xFFFFFFFF  }
0xbc: {  	[dreg:$0x0] =	wrdreg $0x60  }
0xbd: {  	[dreg:$0x2] =	wrdreg s24  }
0xbe: {  	[dreg:$0x3] =	wrdreg $0xA  }
0xbf: {  	_ =	task.clear_ibuf [dreg:s22], $0x4FFFF;
	_ =	strace $0x90000049  }
0xc0: {  	s29 =	simm.s32 $0xA;
	_ =	strace $0x8000004B  }
0xc1: {  	_ =	swait.ge [sflag:s29], $0x1  }
0xc2: {  	[sflag:s29] =	ssyncadd.s32 $0xFFFFFFFF  }
0xc3: {  	_ =	strace $0x9000004B  }
0xc4: {  	_ =	sfence  }
0xc5: {  	s30 =	sld [smem:$0x0];
	_ =	sdelay $0x2  }
0xc6: {  	s31 =	sshll.u32 s1, $0xD;
	s1 =	sshrl.u32 s1, $0x2  }
0xc7: {  	s4 =	sand.u32 $0x4000, s31;
	s1 =	sadd.s32 s1, s30  }
0xc8: {  	s0 =	sor.u32 s4, s0;
	s1 =	sshll.u32 s1, $0x11  }
0xc9: {  	s0 =	sor.u32 s1, s0  }
0xca: {  	s0 =	sadd.s32 $0x8F2B, s0  }
0xcb: {  	[sflag:s0] =	ssyncadd.remote.s32 $0x1  }
0xcc: {  	_ =	sfence.sel $0xFFFF  }
0xcd: {  	[dreg:$0x0] =	wrdreg $0xFFFFFFFF;
	(pc) =	sbr.abs _section_cstart, $3  }
0xce: {  	[dreg:$0x1] =	wrdreg $0xFFFFFFFF  }
0xcf: {  	_ =	task.clear_ibuf [dreg:s22], $0x2FFFF;
	_ =	strace $0x9FFFFFFF  }
0xd0: {  	(tm) =	ssettm $0x7FFFFFFF  }
0xd1: {  	_ =	shalt  }
tec
execute0_lowered:
.L_overlay_start_1:
0x0: {  	(tag) =	ssettag $0x1  }
0x1: {  	s7 =	rddreg [dreg:$0x0]  }
0x2: {  	s0 =	rddreg [dreg:$0x1];
	_ =	strace $0x8000004A  }
0x3: {  	s1 =	srdreg.scid;
	s4 =	simm.s32 $0x1;
	s9 =	simm.s32 $0x3  }
0x4: {  	s12 =	simm.s32 $0x0;
	s10 =	simm.s32 $0x0;
	s5 =	sshll.u32 s1, $0x4  }
.Ltmp0:
0x5: {  	s1 =	stileid.u32;
	s5 =	sand.u32 $0x10, s5;
	(pc) =	sbr.rel .LBB2_1-.Ltmp0, $4  }
0x6: {  	s2 =	sadd.s32 $0x40200, s7;
	s3 =	sadd.s32 $0x40000, s7;
	s6 =	sor.u32 s1, s5  }
0x7: {  	[sflag:s4] =	ssyncpa.u1 $0x0;
	s5 =	simm.s32 $0x2;
	s6 =	sshll.u32 s6, $0x7  }
0x8: {  	s7 =	sadd.s32 $0xC0200, s7;
	[sflag:s5] =	ssyncpa.u1 $0x0;
	s8 =	sadd.s32 $0x80, s6  }
0x9: {  	vm0 =	vmmov $0xff;
	vm1 =	vcmask $0x3F20;
	[sflag:s9] =	ssyncpa.u1 $0x0;
	s9 =	simm.s32 $0x80;
	s11 =	smov.u32 s6  }
.LBB2_10:
0xa: {  	[hbm:s16] =	stream.linear.scatter [tilespmem:s13], [sflag:$0x3], $0x800, $0x38;
	[tilespmem:$0x10100] =	vst v63  }
.LBB2_11:
0xb: {  	p0 =	seq.s32 s10, $0x2  }
.Ltmp1:
0xc: {  	_ = 	snop;
	(pc) =	sbr.rel @p0 .LBB2_13-.Ltmp1, $1  }
0xd: {  	_ =	sdelay $0x3  }
.LBB2_12:
0xe: {  	s12 =	sadd.s32 $0x80, s11  }
0xf: {  	s13 =	smov.u32 s6;
	p0 =	slt.s32 s12, s8  }
0x10: {  	s13 =	smov.u32 @p0 s12  }
0x11: {  	s10 =	sadd.s32 $0x1, s10;
	s12 =	smov.u32 s11;
	s11 =	smov.u32 s13  }
.LBB2_1:
0x12: {  	p0 =	sne.s32 s10, $0x0  }
.Ltmp2:
0x13: {  	_ = 	snop;
	(pc) =	sbr.rel @!p0 .LBB2_2-.Ltmp2, $1  }
0x14: {  	_ =	sdelay $0x3  }
0x15: {  	s13 =	sand.u32 $0x1, s10  }
0x16: {  	p0 =	seq.s32 s13, $0x0  }
.Ltmp3:
0x17: {  	_ = 	snop;
	(pc) =	sbr.rel @p0 .LBB2_11-.Ltmp3, $1  }
0x18: {  	_ =	sdelay $0x3  }
0x19: {  	_ =	swait.ge [sflag:s5], $0x80  }
0x1a: {  	[sflag:s5] =	ssyncset.done $0x0  }
0x1b: {  	s13 =	simm.s32 $0x0;
	[sflag:s5] =	ssyncadd.s32 $0xFFFFFF80  }
.LBB2_5:
0x1c: {  	s14 =	sshll.u32 s13, $0x4  }
0x1d: {  	s14 =	sand.u32 $0x3FFFFFF0, s14  }
0x1e: {  	v0 =	vld.msk [tilespmem:s14+$0x80 ss:$0x1], $0xffff;
	_ =	sdelay $0x4  }
0x1f: {  	v1 =	vshrl.u32 v0, $0x2  }
0x20: {  	vm2 =	veq.s32 v0, $0x80000000;
	v1 =	vand.u32 $0xFFF, v1  }
0x21: {  	v0 =	vshll.u32 v0, $0x14;
	v1 =	vsel vm2, $0xFFFFFFFF, v1  }
0x22: {  	v0 =	vand.u32 $0x300000, v0;
	v2 =	vshll.u32 v1, $0x8  }
0x23: {  	v0 =	vsel vm2, $0xFFF00000, v0;
	v1 =	vshll.u32 v1, $0x7;
	v2 =	vand.u32 $0xFFFFF800, v2  }
0x24: {  	s31 =	sshll.u32 s13, $0xC;
	v1 =	vand.u32 $0x380, v1;
	v0 =	vadd.s32 v0, v2  }
0x25: {  	s14 =	sand.u32 $0x3FFFF000, s31;
	v0 =	vor.u32 v1, v0  }
0x26: {  	p0 =	por $0x1, $0x1;
	s15 =	simm.s32 $0x0;
	s14 =	sadd.s32 $0x8100, s14;
	v0 =	vshrl.u32 v0, $0x3  }
.LBB2_6:
0x27: {  	_ =	sdelay $0x1  }
0x28: {  	s15 =	sshra.s32 s15, $0x2;
	p1 =	por p0, p0  }
.Ltmp4:
0x29: {  	s15 =	sadd.s32 s15, s14;
	(pc) =	sbr.rel @p1 .LBB2_6-.Ltmp4, $4  }
0x2a: {  	[tilespmem:s15], [sflag:$0x1] =	stream.indirect_vreg.gather [hbm:s2], $0x80, v0, vm0, $0x38;
	[tilespmem:$0x10100] =	vst v63  }
0x2b: {  	s15 =	sadd.s32 $0x800, s15  }
0x2c: {  	[tilespmem:s15], [sflag:$0x1] =	stream.indirect_vreg.gather [hbm:s2], $0x80, v0, vm1, $0x38;
	[tilespmem:$0x10100] =	vst v63  }
0x2d: {  	p0 =	por $0x0, $0x0;
	v0 =	vadd.s32 $0x80, v0;
	s15 =	simm.s32 $0x1000  }
0x2e: {  	s13 =	sadd.s32 $0x1, s13  }
0x2f: {  	p0 =	sne.s32 s13, $0x8  }
.Ltmp5:
0x30: {  	_ = 	snop;
	(pc) =	sbr.rel @p0 .LBB2_5-.Ltmp5, $1  }
0x31: {  	_ =	sdelay $0x3  }
0x32: {  	s13 =	sshll.u32 s12, $0x5  }
0x33: {  	_ =	swait.ge [sflag:s4], $0x8000;
	s31 =	sshll.u32 s12, $0x4;
	s13 =	sand.u32 $0xFFFFFF00, s13  }
0x34: {  	s14 =	simm.s32 $0x100;
	s12 =	sand.u32 $0x70, s31;
	s13 =	sadd.s32 s13, s7  }
0x35: {  	s15 =	simm.s32 $0x8900;
	[sflag:s4] =	ssyncset.done $0x0;
	s12 =	sadd.s32 s12, s13  }
0x36: {  	[sflag:s4] =	ssyncadd.s32 $0xFFFF8000;
	s13 =	simm.s32 $0x8100;
	s16 =	sadd.s32 $0x0, s12  }
.LBB2_9:
0x37: {  	[hbm:s16] =	stream.linear.scatter [tilespmem:s13], [sflag:$0x3], $0x800, $0x38;
	[tilespmem:$0x10100] =	vst v63  }
0x38: {  	s16 =	smov.u32 s14;
	s13 =	smov.u32 s15;
	p0 =	sne.s32 s14, $0xF00  }
.Ltmp6:
0x39: {  	s14 =	sadd.s32 $0x100, s14;
	(pc) =	sbr.rel @p0 .LBB2_9-.Ltmp6, $2  }
0x3a: {  	_ =	sdelay $0x2  }
0x3b: {  	s15 =	sadd.s32 $0x800, s15;
	s16 =	sadd.s32 s16, s12  }
.Ltmp7:
0x3c: {  	_ = 	snop;
	(pc) =	sbr.rel .LBB2_10-.Ltmp7, $1  }
0x3d: {  	_ =	sdelay $0x3  }
.LBB2_2:
.Ltmp8:
0x3e: {  	(pc) =	sbr.rel .LBB2_12-.Ltmp8, $4  }
0x3f: {  	_ = 	snop  }
0x40: {  	s12 =	sshrl.u32 s11, $0x3  }
0x41: {  	s13 =	sand.u32 $0x7, s11;
	s12 =	sadd.s32 s3, s12  }
0x42: {  	[tilespmem:s9], [sflag:$0x2] =	stream.linear.gather [hbm4b:s12+s13], $0x80, $0x38;
	[tilespmem:$0x10100] =	vst v63  }
.LBB2_13:
0x43: {  	s2 =	simm.s32 $0x3  }
0x44: {  	_ =	swait.ge [sflag:s2], $0x8000  }
0x45: {  	[sflag:s2] =	ssyncset.done $0x0  }
0x46: {  	[sflag:s2] =	ssyncadd.s32 $0xFFFF8000  }
0x47: {  	_ =	sfence.sel $0x180000  }
0x48: {  	s3 =	simm.s32 $0x2;
	[bflag:$0x0] =	sbarrier.arrive $0xFFFF  }
0x49: {  	[sflag:s3] =	ssyncpa.u1 $0x1  }
0x4a: {  	s31 =	simm.s32 $0x1;
	[sflag:s2] =	ssyncpa.u1 $0x1  }
0x4b: {  	[sflag:s31] =	ssyncpa.u1 $0x1  }
0x4c: {  	p0 =	sne.s32 s1, $0x0;
	_ =	strace $0x9000004A  }
0x4d: {  	s0 =	sadd.s32 @!p0 $0x100000, s0;
	[bflag:$0x2] =	sbarrier.arrive $0xFFFF  }
0x4e: {  	[sflag:s0] =	ssyncadd.tile.s32 @!p0 $0x1;
	_ =	shalt  }
.Lfunc_end2:
_tile_overlayer_lowered:
.L_overlay_start_2:
0x4f: {  	(tag) =	ssettag $0x2  }
0x50: {  	s0 =	rddreg [dreg:$0x0];
	s2 =	stileid.u32  }
0x51: {  	s1 =	rddreg [dreg:$0x1];
	p0 =	sne.s32 s2, $0x0  }
0x52: {  	s3 =	rddreg [dreg:$0x2];
	[bflag:$0x3] =	sbarrier.arrive $0xFFFF;
	s2 =	simm.s32 @!p0 $0x1C01  }
0x53: {  	[timem:s3], [sflag:s2] =	dma.local @!p0 [hbm:s0], s1  }
0x54: {  	s0 =	simm.s32 @!p0 $0x1  }
0x55: {  	_ =	swait.ge @!p0 [sflag:s0], s1  }
0x56: {  	s1 =	ssub.s32 @!p0 $0x0, s1;
	[sflag:s0] =	ssyncset.done @!p0 $0x0  }
0x57: {  	[sflag:s0] =	ssyncadd.s32 @!p0 s1  }
0x58: {  	[bflag:$0x3] =	sbarrier.arrive $0xFFFF  }
0x59: {  	_ =	shalt  }

// kernel: gather_offload_async_start
scs
__scs_entry_jumppad:
0x0: {  	(pc) =	sbr.rel $0x88, $3  }
0x1: {  	(tag) =	ssettag $0x0;
	lr =	simm.s32 $0x1  }
0x2: {  	[smem:$0x3F9F] =	sst lr;
	_ =	strace $0xD0000000  }
0x3: {  	_ = 	snop  }
0x4: {  	_ = 	snop  }
0x5: {  	_ = 	snop  }
0x6: {  	_ = 	snop  }
0x7: {  	_ = 	snop  }
__scs_overlays_trampoline_lowered:
0x8: {  	[smem:$0x3FAE] =	sst s0  }
0x9: {  	[smem:$0x3FAF] =	sst s1  }
0xa: {  	[smem:$0x3FB0] =	sst s2  }
0xb: {  	[smem:$0x3FB1] =	sst s3  }
0xc: {  	[smem:$0x3FB2] =	sst s4  }
0xd: {  	[smem:$0x3FB3] =	sst s5  }
0xe: {  	[smem:$0x3FB4] =	sst s6  }
0xf: {  	[smem:$0x3FB5] =	sst s7  }
0x10: {  	[smem:$0x3FB6] =	sst s8  }
0x11: {  	[smem:$0x3FB7] =	sst s9;
	s0 =	simm.s32 @!p0 $0x0  }
0x12: {  	s1 =	sld [smem:$0x3F9D];
	s0 =	simm.s32 @p0 $0x1  }
0x13: {  	[smem:$0x3FB8] =	sst s0;
	s0 =	simm.s32 @!p1 $0x0  }
0x14: {  	s2 =	sld [smem:$0x3F9C];
	s0 =	simm.s32 @p1 $0x1  }
0x15: {  	[smem:$0x3FB9] =	sst s0;
	s0 =	simm.s32 @!p2 $0x0  }
0x16: {  	s3 =	sld [smem:$0x3FDB];
	s0 =	simm.s32 @p2 $0x1  }
0x17: {  	s4 =	simm.s32 $0x1BF5;
	[smem:$0x3FBB] =	sst s0  }
0x18: {  	s0 =	sld [smem:$0x3F9E];
	_ =	swait.ge [sflag:s4], $0x0  }
0x19: {  	s7 =	sld [smem:$0x3F9F]  }
0x1a: {  	s8 =	sadd.s32 $0xFFFFE003, lr  }
0x1b: {  	s9 =	sadd.s32 $0xFFFFFEF7, lr;
	s5 =	simm.s32 $0xFFFFFFFF;
	p2 =	slt.u32 s8, $0xFFFFF086  }
0x1c: {  	p1 =	slt.u32 s9, $0xF7A;
	s5 =	simm.s32 @!p2 $0x0  }
0x1d: {  	s5 =	simm.s32 @p1 $0x1;
	p0 =	seq.s32 s7, s2  }
0x1e: {  	s7 =	smul.u32 @!p0 $0xF7A, s2;
	p2 =	seq.s32 @!p0 s5, $0x0  }
0x1f: {  	s9 =	smul.u32 $0xF7A, s1;
	s8 =	simm.s32 @!p0 $0x1BF5;
	p2 =	por !p2, p0  }
0x20: {  	[sflag:s8] =	ssyncset.s32 @!p0 $0xFFFFF086;
	s6 =	sadd.s32 @!p0 s3, s7;
	s7 =	simm.s32 @!p0 $0x108  }
0x21: {  	s3 =	sadd.s32 s3, s9;
	s6 =	sadd.s32 @!p0 $0x88, s6;
	s7 =	simm.s32 @p2 $0x1082  }
0x22: {  	[simem:s7], [sflag:s8] =	dma.local @!p0 [hbm:s6], $0xF7A  }
0x23: {  	s9 =	sor.u32 $0xD0000000, s2;
	s6 =	simm.s32 $0x108;
	_ =	swait.ge @!p0 [sflag:s8], $0x0  }
0x24: {  	s3 =	sadd.s32 $0x88, s3;
	s6 =	simm.s32 @!p1 $0x1082;
	[sflag:s4] =	ssyncset.s32 $0xFFFFF086  }
0x25: {  	[simem:s6], [sflag:s4] =	dma.local [hbm:s3], $0xF7A  }
0x26: {  	[smem:$0x3F9F] =	sst s1;
	(tag) =	ssettag s2;
	_ =	strace s9  }
0x27: {  	s1 =	sld [smem:$0x3FAF]  }
0x28: {  	s2 =	sld [smem:$0x3FB0]  }
0x29: {  	s4 =	sld [smem:$0x3FB2]  }
0x2a: {  	p0 =	seq.s32 s5, $0x0;
	s5 =	sld [smem:$0x3FB3]  }
0x2b: {  	s6 =	sld [smem:$0x3FB4]  }
0x2c: {  	s7 =	sld [smem:$0x3FB5]  }
0x2d: {  	s3 =	simm.s32 $0x108;
	s8 =	sld [smem:$0x3FB6]  }
0x2e: {  	s3 =	simm.s32 @!p0 $0x1082;
	s9 =	sld [smem:$0x3FB7]  }
0x2f: {  	lr =	sadd.s32 s0, s3;
	s0 =	sld [smem:$0x3FAE]  }
0x30: {  	s3 =	sld [smem:$0x3FB1]  }
0x31: {  	[smem:$0x3FBA] =	sst s10  }
0x32: {  	s10 =	sld [smem:$0x3FB8];
	_ =	sdelay $0x3  }
0x33: {  	p0 =	seq.s32 s10, $0x1;
	s10 =	sld [smem:$0x3FBA];
	_ =	sdelay $0x3  }
0x34: {  	[smem:$0x3FBA] =	sst s10  }
0x35: {  	s10 =	sld [smem:$0x3FB9];
	_ =	sdelay $0x3  }
0x36: {  	p1 =	seq.s32 s10, $0x1;
	s10 =	sld [smem:$0x3FBA];
	_ =	sdelay $0x3  }
0x37: {  	[smem:$0x3FBA] =	sst s10  }
0x38: {  	s10 =	sld [smem:$0x3FBB]  }
0x39: {  	_ = 	snop;
	(pc) =	sbr.ind lr, $3  }
0x3a: {  	_ = 	snop  }
0x3b: {  	_ = 	snop  }
0x3c: {  	p2 =	seq.s32 s10, $0x1;
	s10 =	sld [smem:$0x3FBA]  }
0x3d: {  	_ =	shalt  }
0x3e: {  	_ =	shalt  }
0x3f: {  	_ =	shalt  }
0x40: {  	_ =	shalt  }
0x41: {  	_ =	shalt  }
0x42: {  	_ =	shalt  }
0x43: {  	_ =	shalt  }
0x44: {  	_ =	shalt  }
0x45: {  	_ =	shalt  }
0x46: {  	_ =	shalt  }
0x47: {  	_ =	shalt  }
0x48: {  	_ =	shalt  }
0x49: {  	_ =	shalt  }
0x4a: {  	_ =	shalt  }
0x4b: {  	_ =	shalt  }
0x4c: {  	_ =	shalt  }
0x4d: {  	_ =	shalt  }
0x4e: {  	_ =	shalt  }
0x4f: {  	_ =	shalt  }
0x50: {  	_ =	shalt  }
0x51: {  	_ =	shalt  }
0x52: {  	_ =	shalt  }
0x53: {  	_ =	shalt  }
0x54: {  	_ =	shalt  }
0x55: {  	_ =	shalt  }
0x56: {  	_ =	shalt  }
0x57: {  	_ =	shalt  }
0x58: {  	_ =	shalt  }
0x59: {  	_ =	shalt  }
0x5a: {  	_ =	shalt  }
0x5b: {  	_ =	shalt  }
0x5c: {  	_ =	shalt  }
0x5d: {  	_ =	shalt  }
0x5e: {  	_ =	shalt  }
0x5f: {  	_ =	shalt  }
0x60: {  	_ =	shalt  }
0x61: {  	_ =	shalt  }
0x62: {  	_ =	shalt  }
0x63: {  	_ =	shalt  }
0x64: {  	_ =	shalt  }
0x65: {  	_ =	shalt  }
0x66: {  	_ =	shalt  }
0x67: {  	_ =	shalt  }
0x68: {  	_ =	shalt  }
0x69: {  	_ =	shalt  }
0x6a: {  	_ =	shalt  }
0x6b: {  	_ =	shalt  }
0x6c: {  	_ =	shalt  }
0x6d: {  	_ =	shalt  }
0x6e: {  	_ =	shalt  }
0x6f: {  	_ =	shalt  }
0x70: {  	_ =	shalt  }
0x71: {  	_ =	shalt  }
0x72: {  	_ =	shalt  }
0x73: {  	_ =	shalt  }
0x74: {  	_ =	shalt  }
0x75: {  	_ =	shalt  }
0x76: {  	_ =	shalt  }
0x77: {  	_ =	shalt  }
0x78: {  	_ =	shalt  }
0x79: {  	_ =	shalt  }
0x7a: {  	_ =	shalt  }
0x7b: {  	_ =	shalt  }
0x7c: {  	_ =	shalt  }
0x7d: {  	_ =	shalt  }
0x7e: {  	_ =	shalt  }
0x7f: {  	_ =	shalt  }
0x80: {  	_ =	shalt  }
0x81: {  	_ =	shalt  }
0x82: {  	_ =	shalt  }
0x83: {  	_ =	shalt  }
0x84: {  	_ =	shalt  }
0x85: {  	_ =	shalt  }
0x86: {  	_ =	shalt  }
0x87: {  	_ =	shalt  }
.Lfunc_end0:
.L_simem_size_0:
called_computation_lowered:
.L_overlay_start_0:
0x88: {  	s2 =	sld [smem:$0x3FD9]  }
0x89: {  	s3 =	sld [smem:$0x3FFE];
	_ =	sdelay $0x1  }
0x8a: {  	s1 =	srdreg.scid  }
0x8b: {  	s0 =	sand.u32 $0x1, s1  }
0x8c: {  	s14 =	sshll.u32 s0, $0xA;
	s2 =	sadd.s32 s3, s2  }
0x8d: {  	s2 =	sadd.s32 s2, s14  }
0x8e: {  	[smem:$0x3FC6] =	sst s2  }
0x8f: {  	_ = 	snop  }
0x90: {  	s2 =	sld [smem:$0x3FD0];
	_ =	sdelay $0x2  }
0x91: {  	s15 =	simm.s32 $0xB;
	s4 =	simm.s32 $0x10  }
0x92: {  	[smem:s4], [sflag:s15] =	dma.local [hbm:s2], $0x1  }
0x93: {  	_ =	swait.eq [sflag:s15], $0x1  }
0x94: {  	[sflag:s15] =	ssyncset.done $0x0  }
0x95: {  	[sflag:s15] =	ssyncadd.s32 $0xFFFFFFFF  }
0x96: {  	s16 =	sld [smem:$0x11];
	(tm) =	ssettm $0x1  }
0x97: {  	s17 =	sld [smem:$0x3FFB];
	_ =	sdelay $0x3  }
0x98: {  	_ =	strace s17  }
0x99: {  	s3 =	sld [smem:$0x3FFC];
	_ =	sdelay $0x3  }
0x9a: {  	_ =	strace s3  }
0x9b: {  	s3 =	sld [smem:$0x3FFD];
	_ =	sdelay $0x3  }
0x9c: {  	_ =	strace s3  }
0x9d: {  	_ =	strace $0x8FFFFFFF  }
0x9e: {  	s18 =	sld [smem:$0x3FDB];
	_ =	sdelay $0x1  }
0x9f: {  	s19 =	simm.s32 $_scs_section_size  }
0xa0: {  	s5 =	simm.s32 $_size__tile_overlayer_lowered;
	s6 =	simm.s32 $_tile_overlayer_lowered  }
0xa1: {  	s22 =	simm.s32 $0x1BFF;
	s21 =	sshll.u32 s6, $0x1;
	s3 =	sadd.s32 s19, s18  }
0xa2: {  	s7 =	simm.s32 $0x0;
	s20 =	sshll.u32 s5, $0x1;
	s5 =	sadd.s32 s21, s3  }
0xa3: {  	[timem:s7], [sflag:s22] =	dma.local [hbm:s5], s20  }
0xa4: {  	_ =	swait.ge [sflag:s22], s20  }
0xa5: {  	s4 =	ssub.s32 $0x0, s20;
	[sflag:s22] =	ssyncset.done $0x0  }
0xa6: {  	[sflag:s22] =	ssyncadd.s32 s4;
	_ =	sdelay $0x1  }
0xa7: {  	s23 =	simm.s32 $0x1B8B  }
0xa8: {  	_ =	swait.ge [sflag:s23], $0x1  }
0xa9: {  	[sflag:s23] =	ssyncset.done $0x0  }
0xaa: {  	s25 =	simm.s32 $0x1B8E;
	s24 =	sld [smem:$0x3FFE];
	[sflag:s23] =	ssyncadd.s32 $0xFFFFFFFF  }
0xab: {  	s26 =	simm.s32 $execute0_lowered;
	[smem:$0x3FD2] =	sst s25  }
0xac: {  	s5 =	sshll.u32 s26, $0x1;
	_ =	strace $0x80000046;
	[dreg:$0x1] =	wrdreg $0xFFFFFFFF  }
0xad: {  	s28 =	simm.s32 $_size_execute0_lowered;
	s3 =	sadd.s32 s3, s5;
	[dreg:$0x0] =	wrdreg $0x0  }
0xae: {  	s5 =	sshll.u32 s28, $0x1;
	[dreg:$0x2] =	wrdreg s3  }
0xaf: {  	[dreg:$0x3] =	wrdreg s5  }
0xb0: {  	[dreg:$0x4] =	wrdreg $0xC0  }
0xb1: {  	_ =	task [dreg:s7], $0x5FFFF  }
0xb2: {  	[dreg:$0x1] =	wrdreg $0xFFFFFFFF  }
0xb3: {  	[dreg:$0x0] =	wrdreg $0x60  }
0xb4: {  	[dreg:$0x2] =	wrdreg s24  }
0xb5: {  	[dreg:$0x3] =	wrdreg s16  }
0xb6: {  	[dreg:$0x4] =	wrdreg $0x9  }
0xb7: {  	_ =	task.clear_ibuf [dreg:s7], $0x5FFFF;
	_ =	strace $0x90000046  }
0xb8: {  	s29 =	simm.s32 $0x9;
	_ =	strace $0x80000048  }
0xb9: {  	_ =	swait.ge [sflag:s29], $0x1  }
0xba: {  	[sflag:s29] =	ssyncadd.s32 $0xFFFFFFFF  }
0xbb: {  	_ =	strace $0x90000048  }
0xbc: {  	_ =	sfence  }
0xbd: {  	s30 =	sld [smem:$0x0];
	_ =	sdelay $0x2  }
0xbe: {  	s31 =	sshll.u32 s1, $0xD;
	s1 =	sshrl.u32 s1, $0x2  }
0xbf: {  	s3 =	sand.u32 $0x4000, s31;
	s1 =	sadd.s32 s1, s30  }
0xc0: {  	s0 =	sor.u32 s3, s0;
	s1 =	sshll.u32 s1, $0x11  }
0xc1: {  	s0 =	sor.u32 s1, s0  }
0xc2: {  	s0 =	sadd.s32 $0x8F2B, s0  }
0xc3: {  	[sflag:s0] =	ssyncadd.remote.s32 $0x1  }
0xc4: {  	_ =	sfence.sel $0xFFFF  }
0xc5: {  	[dreg:$0x0] =	wrdreg $0xFFFFFFFF;
	(pc) =	sbr.abs _section_cstart, $3  }
0xc6: {  	[dreg:$0x1] =	wrdreg $0xFFFFFFFF  }
0xc7: {  	_ =	task.clear_ibuf [dreg:s7], $0x2FFFF;
	_ =	strace $0x9FFFFFFF  }
0xc8: {  	(tm) =	ssettm $0x7FFFFFFF  }
0xc9: {  	_ =	shalt  }
tec
execute0_lowered:
.L_overlay_start_1:
0x0: {  	(tag) =	ssettag $0x1  }
0x1: {  	s2 =	rddreg [dreg:$0x0]  }
0x2: {  	s3 =	rddreg [dreg:$0x1]  }
0x3: {  	s0 =	rddreg [dreg:$0x2];
	s1 =	srdreg.scid;
	_ =	strace $0x80000047  }
0x4: {  	s4 =	simm.s32 $0x1;
	s9 =	simm.s32 $0x3;
	s5 =	sshll.u32 s1, $0x4  }
.Ltmp0:
0x5: {  	s1 =	stileid.u32;
	s5 =	sand.u32 $0x10, s5;
	(pc) =	sbr.rel .LBB2_1-.Ltmp0, $4  }
0x6: {  	s12 =	simm.s32 $0x0;
	s10 =	simm.s32 $0x0;
	s6 =	sor.u32 s1, s5  }
0x7: {  	[sflag:s4] =	ssyncpa.u1 $0x0;
	s5 =	simm.s32 $0x2;
	s6 =	sshll.u32 s6, $0x7  }
0x8: {  	s7 =	sadd.s32 $0x40000, s2;
	[sflag:s5] =	ssyncpa.u1 $0x0;
	s8 =	sadd.s32 $0x80, s6  }
0x9: {  	vm0 =	vmmov $0xff;
	vm1 =	vcmask $0x3F20;
	[sflag:s9] =	ssyncpa.u1 $0x0;
	s9 =	simm.s32 $0x80;
	s11 =	smov.u32 s6  }
.LBB2_9:
0xa: {  	p0 =	seq.s32 s10, $0x2  }
.Ltmp1:
0xb: {  	_ = 	snop;
	(pc) =	sbr.rel @p0 .LBB2_11-.Ltmp1, $1  }
0xc: {  	_ =	sdelay $0x3  }
.LBB2_10:
0xd: {  	s12 =	sadd.s32 $0x80, s11  }
0xe: {  	s13 =	smov.u32 s6;
	p0 =	slt.s32 s12, s8  }
0xf: {  	s13 =	smov.u32 @p0 s12  }
0x10: {  	s10 =	sadd.s32 $0x1, s10;
	s12 =	smov.u32 s11;
	s11 =	smov.u32 s13  }
.LBB2_1:
0x11: {  	p0 =	sne.s32 s10, $0x0  }
.Ltmp2:
0x12: {  	_ = 	snop;
	(pc) =	sbr.rel @!p0 .LBB2_2-.Ltmp2, $1  }
0x13: {  	_ =	sdelay $0x3  }
0x14: {  	s13 =	sand.u32 $0x1, s10  }
0x15: {  	p0 =	seq.s32 s13, $0x0  }
.Ltmp3:
0x16: {  	_ = 	snop;
	(pc) =	sbr.rel @p0 .LBB2_9-.Ltmp3, $1  }
0x17: {  	_ =	sdelay $0x3  }
0x18: {  	_ =	swait.ge [sflag:s5], $0x80  }
0x19: {  	[sflag:s5] =	ssyncset.done $0x0  }
0x1a: {  	s13 =	simm.s32 $0x0;
	[sflag:s5] =	ssyncadd.s32 $0xFFFFFF80  }
0x1b: {  	v0 =	vld.msk [tilespmem:s13+$0x80 ss:$0x1], $0xffff;
	_ =	sdelay $0x4  }
0x1c: {  	v1 =	vshll.u32 v0, $0x5  }
0x1d: {  	vm2 =	veq.s32 v0, $0x80000000;
	v0 =	vshll.u32 v0, $0x13;
	v1 =	vand.u32 $0x7FF80, v1  }
0x1e: {  	v0 =	vand.u32 $0x180000, v0;
	v1 =	vsel vm2, $0xFFFFFF80, v1  }
0x1f: {  	v0 =	vsel vm2, $0xFFF80000, v0;
	v2 =	vand.u32 $0xFFFFFC00, v1  }
0x20: {  	v1 =	vand.u32 $0x380, v1;
	v0 =	vadd.s32 v0, v2  }
0x21: {  	v0 =	vor.u32 v1, v0  }
0x22: {  	v0 =	vshrl.u32 v0, $0x3;
	_ =	sdelay $0x3  }
0x23: {  	s13 =	simm.s32 $0x4100  }
0x24: {  	[tilespmem:s13], [sflag:$0x1] =	stream.indirect_vreg.gather [hbm:s2], $0x80, v0, vm0, $0x38;
	[tilespmem:$0x8100] =	vst v63  }
0x25: {  	s14 =	simm.s32 $0x4500;
	s31 =	simm.s32 $0x10  }
0x26: {  	[tilespmem:s14], [sflag:$0x1] =	stream.indirect_vreg.gather [hbm:s2], $0x80, v0, vm1, $0x38;
	[tilespmem:$0x8100] =	vst v63  }
0x27: {  	s14 =	simm.s32 $0x80;
	v0 =	vld.msk [tilespmem:s31+$0x80 ss:$0x1], $0xffff  }
.LBB2_5:
0x28: {  	p0 =	sne.s32 s14, $0x1C0;
	_ =	sdelay $0x4  }
0x29: {  	v1 =	vshll.u32 v0, $0x5  }
0x2a: {  	vm2 =	veq.s32 v0, $0x80000000;
	v0 =	vshll.u32 v0, $0x13;
	v1 =	vand.u32 $0x7FF80, v1  }
0x2b: {  	v0 =	vand.u32 $0x180000, v0;
	v1 =	vsel vm2, $0xFFFFFF80, v1  }
0x2c: {  	v0 =	vsel vm2, $0xFFF80000, v0;
	v2 =	vand.u32 $0xFFFFFC00, v1  }
0x2d: {  	v1 =	vand.u32 $0x380, v1;
	v0 =	vadd.s32 v0, v2  }
0x2e: {  	v0 =	vor.u32 v1, v0  }
0x2f: {  	v0 =	vshrl.u32 v0, $0x3;
	_ =	sdelay $0x3  }
.Ltmp4:
0x30: {  	s13 =	sadd.s32 $0x800, s13;
	(pc) =	sbr.rel @p0 .LBB2_5-.Ltmp4, $4  }
0x31: {  	[tilespmem:s13], [sflag:$0x1] =	stream.indirect_vreg.gather [hbm:s2], $0x80, v0, vm0, $0x38;
	[tilespmem:$0x8100] =	vst v63  }
0x32: {  	s15 =	sshra.s32 s14, $0x2;
	s16 =	sadd.s32 $0x400, s13  }
0x33: {  	[tilespmem:s16], [sflag:$0x1] =	stream.indirect_vreg.gather [hbm:s2], $0x80, v0, vm1, $0x38;
	[tilespmem:$0x8100] =	vst v63  }
0x34: {  	s14 =	sadd.s32 $0x40, s14;
	v0 =	vld.msk [tilespmem:s15+$0x80 ss:$0x1], $0xffff  }
0x35: {  	_ =	sdelay $0x3  }
0x36: {  	v1 =	vshll.u32 v0, $0x5  }
0x37: {  	vm2 =	veq.s32 v0, $0x80000000;
	v63 =	vshll.u32 v0, $0x13;
	v1 =	vand.u32 $0x7FF80, v1  }
0x38: {  	v0 =	vand.u32 $0x180000, v63;
	v1 =	vsel vm2, $0xFFFFFF80, v1  }
0x39: {  	v0 =	vsel vm2, $0xFFF80000, v0;
	v2 =	vand.u32 $0xFFFFFC00, v1  }
0x3a: {  	v1 =	vand.u32 $0x380, v1;
	v0 =	vadd.s32 v0, v2  }
0x3b: {  	v0 =	vor.u32 v1, v0  }
0x3c: {  	v0 =	vshrl.u32 v0, $0x3;
	_ =	sdelay $0x3  }
0x3d: {  	s13 =	sadd.s32 $0x800, s13  }
0x3e: {  	[tilespmem:s13], [sflag:$0x1] =	stream.indirect_vreg.gather [hbm:s2], $0x80, v0, vm0, $0x38;
	[tilespmem:$0x8100] =	vst v63  }
0x3f: {  	s13 =	sadd.s32 $0x400, s13  }
0x40: {  	[tilespmem:s13], [sflag:$0x1] =	stream.indirect_vreg.gather [hbm:s2], $0x80, v0, vm1, $0x38;
	[tilespmem:$0x8100] =	vst v63  }
0x41: {  	s12 =	sshll.u32 s12, $0x4;
	s14 =	simm.s32 $0x80;
	_ =	swait.ge [sflag:s4], $0x4000  }
0x42: {  	s15 =	simm.s32 $0x4500;
	s12 =	sadd.s32 s12, s3;
	[sflag:s4] =	ssyncset.done $0x0  }
0x43: {  	s16 =	sadd.s32 $0x0, s12;
	s13 =	simm.s32 $0x4100;
	[sflag:s4] =	ssyncadd.s32 $0xFFFFC000  }
.LBB2_7:
0x44: {  	[hbm:s16] =	stream.linear.scatter [tilespmem:s13], [sflag:$0x3], $0x400, $0x38;
	[tilespmem:$0x8100] =	vst v63  }
0x45: {  	s16 =	smov.u32 s14;
	s13 =	smov.u32 s15;
	p0 =	sne.s32 s14, $0x780  }
.Ltmp5:
0x46: {  	s14 =	sadd.s32 $0x80, s14;
	(pc) =	sbr.rel @p0 .LBB2_7-.Ltmp5, $2  }
0x47: {  	_ =	sdelay $0x2  }
0x48: {  	s15 =	sadd.s32 $0x400, s15;
	s16 =	sadd.s32 s16, s12  }
.Ltmp6:
0x49: {  	(pc) =	sbr.rel .LBB2_9-.Ltmp6, $2  }
0x4a: {  	_ =	sdelay $0x2  }
0x4b: {  	[hbm:s16] =	stream.linear.scatter [tilespmem:s13], [sflag:$0x3], $0x400, $0x38;
	[tilespmem:$0x8100] =	vst v63  }
.LBB2_2:
.Ltmp7:
0x4c: {  	(pc) =	sbr.rel .LBB2_10-.Ltmp7, $4  }
0x4d: {  	_ = 	snop  }
0x4e: {  	s12 =	sshrl.u32 s11, $0x3  }
0x4f: {  	s13 =	sand.u32 $0x7, s11;
	s12 =	sadd.s32 s7, s12  }
0x50: {  	[tilespmem:s9], [sflag:$0x2] =	stream.linear.gather [hbm4b:s12+s13], $0x80, $0x38;
	[tilespmem:$0x8100] =	vst v63  }
.LBB2_11:
0x51: {  	s2 =	simm.s32 $0x3  }
0x52: {  	_ =	swait.ge [sflag:s2], $0x4000  }
0x53: {  	[sflag:s2] =	ssyncset.done $0x0  }
0x54: {  	[sflag:s2] =	ssyncadd.s32 $0xFFFFC000  }
0x55: {  	_ =	sfence.sel $0x180000  }
0x56: {  	s3 =	simm.s32 $0x2;
	[bflag:$0x0] =	sbarrier.arrive $0xFFFF  }
0x57: {  	[sflag:s3] =	ssyncpa.u1 $0x1  }
0x58: {  	s31 =	simm.s32 $0x1;
	[sflag:s2] =	ssyncpa.u1 $0x1  }
0x59: {  	[sflag:s31] =	ssyncpa.u1 $0x1  }
0x5a: {  	p0 =	sne.s32 s1, $0x0;
	_ =	strace $0x90000047  }
0x5b: {  	s0 =	sadd.s32 @!p0 $0x100000, s0;
	[bflag:$0x2] =	sbarrier.arrive $0xFFFF  }
0x5c: {  	[sflag:s0] =	ssyncadd.tile.s32 @!p0 $0x1;
	_ =	shalt  }
.Lfunc_end2:
_tile_overlayer_lowered:
.L_overlay_start_2:
0x5d: {  	(tag) =	ssettag $0x2  }
0x5e: {  	s0 =	rddreg [dreg:$0x0];
	s2 =	stileid.u32  }
0x5f: {  	s1 =	rddreg [dreg:$0x1];
	p0 =	sne.s32 s2, $0x0  }
0x60: {  	s3 =	rddreg [dreg:$0x2];
	[bflag:$0x3] =	sbarrier.arrive $0xFFFF;
	s2 =	simm.s32 @!p0 $0x1C01  }
0x61: {  	[timem:s3], [sflag:s2] =	dma.local @!p0 [hbm:s0], s1  }
0x62: {  	s0 =	simm.s32 @!p0 $0x1  }
0x63: {  	_ =	swait.ge @!p0 [sflag:s0], s1  }
0x64: {  	s1 =	ssub.s32 @!p0 $0x0, s1;
	[sflag:s0] =	ssyncset.done @!p0 $0x0  }
0x65: {  	[sflag:s0] =	ssyncadd.s32 @!p0 s1  }
0x66: {  	[bflag:$0x3] =	sbarrier.arrive $0xFFFF  }
0x67: {  	_ =	shalt  }

</sc_bundles>
